<compile_context>
chip_gen: v7x
topology: tpu7x:2x2x1
jax: 0.10.2.dev20260603
libtpu: 0.0.44.dev20260713+nightly
codegen_flags: <defaults>
</compile_context>

<pallas_src>
import functools

import jax
import jax.numpy as jnp
from jax import lax
from jax.experimental import pallas as pl
from jax.experimental.pallas import tpu as pltpu
from jax.experimental.pallas import tpu_sc as plsc

N_NODES = 10000
N_PAD = 10016
ACC_ROWS = 10240
NC, NS = 2, 16
NW = NC * NS
CHUNK = 128
NCHUNK = 79
EPW = CHUNK * NCHUNK
E_PAD = NW * EPW
ROWS_SUB = ACC_ROWS // NS

_mesh = plsc.VectorSubcoreMesh(
    core_axis_name="c", subcore_axis_name="s", num_cores=NC, num_subcores=NS)


def _deg_body(dstw, ones_hbm, zeros_hbm, parts, idx_v, ones_v, acc_sh):
    c = lax.axis_index("c")
    s = lax.axis_index("s")
    w = c * NS + s
    pltpu.sync_copy(zeros_hbm, ones_v)
    for k in range(ROWS_SUB // CHUNK):
        pltpu.sync_copy(ones_v,
                        acc_sh.at[pl.ds(s * ROWS_SUB + k * CHUNK, CHUNK)])
    pltpu.sync_copy(ones_hbm, ones_v)
    pltpu.sync_copy(dstw.at[w], idx_v)
    plsc.subcore_barrier()

    def body(j, carry):
        pltpu.sync_copy(ones_v, acc_sh.at[idx_v.at[j]], add=True)
        return carry

    lax.fori_loop(0, NCHUNK, body, 0)
    plsc.subcore_barrier()
    pltpu.sync_copy(acc_sh.at[pl.ds(s * ROWS_SUB, ROWS_SUB)],
                    parts.at[c, pl.ds(s * ROWS_SUB, ROWS_SUB)])


def _agg_body(dim, hp, srcw, dstw, zeros_hbm, parts, sidx, didx, rows, acc_sh):
    del dim
    c = lax.axis_index("c")
    s = lax.axis_index("s")
    w = c * NS + s
    pltpu.sync_copy(zeros_hbm, rows)
    for k in range(ROWS_SUB // CHUNK):
        pltpu.sync_copy(rows, acc_sh.at[pl.ds(s * ROWS_SUB + k * CHUNK, CHUNK)])
    pltpu.sync_copy(srcw.at[w], sidx)
    pltpu.sync_copy(dstw.at[w], didx)
    plsc.subcore_barrier()

    def body(j, carry):
        pltpu.sync_copy(hp.at[sidx.at[j]], rows)
        pltpu.sync_copy(rows, acc_sh.at[didx.at[j]], add=True)
        return carry

    lax.fori_loop(0, NCHUNK, body, 0)
    plsc.subcore_barrier()
    pltpu.sync_copy(acc_sh.at[pl.ds(s * ROWS_SUB, ROWS_SUB)],
                    parts.at[c, pl.ds(s * ROWS_SUB, ROWS_SUB)])


def _deg_call(dstw, ones_hbm, zeros_hbm):
    return pl.kernel(
        _deg_body,
        out_type=jax.ShapeDtypeStruct((NC, ACC_ROWS, 128), jnp.float32),
        mesh=_mesh,
        scratch_types=[
            pltpu.VMEM((NCHUNK, CHUNK), jnp.int32),
            pltpu.VMEM((CHUNK, 128), jnp.float32),
            pltpu.VMEM_SHARED((ACC_ROWS, 128), jnp.float32),
        ],
    )(dstw, ones_hbm, zeros_hbm)


def _agg_call(dim, hp, srcw, dstw, zeros_hbm):
    return pl.kernel(
        functools.partial(_agg_body, dim),
        out_type=jax.ShapeDtypeStruct((NC, ACC_ROWS, dim), jnp.float32),
        mesh=_mesh,
        scratch_types=[
            pltpu.VMEM((NCHUNK, CHUNK), jnp.int32),
            pltpu.VMEM((NCHUNK, CHUNK), jnp.int32),
            pltpu.VMEM((CHUNK, dim), jnp.float32),
            pltpu.VMEM_SHARED((ACC_ROWS, dim), jnp.float32),
        ],
    )(hp, srcw, dstw, zeros_hbm)


def _dis(degp_ref):
    deg = degp_ref[0][:N_PAD, :1] + degp_ref[1][:N_PAD, :1] + 1.0
    return lax.rsqrt(deg)


def _tc_pre1(degp_ref, x_ref, w_ref, out_ref):
    dis = _dis(degp_ref)
    out_ref[...] = dis * jnp.dot(x_ref[...], w_ref[...],
                                 preferred_element_type=jnp.float32)


def _tc_mid(aggp_ref, mp_ref, degp_ref, b_ref, w_ref, out_ref):
    dis = _dis(degp_ref)
    p = aggp_ref[0][:N_PAD] + aggp_ref[1][:N_PAD]
    o = dis * (p + mp_ref[...]) + b_ref[...]
    a = jnp.maximum(o, 0.0)
    out_ref[...] = dis * jnp.dot(a, w_ref[...],
                                 preferred_element_type=jnp.float32)


def _tc_post(aggp_ref, mp_ref, degp_ref, b_ref, out_ref):
    dis = _dis(degp_ref)
    p = aggp_ref[0][:N_PAD] + aggp_ref[1][:N_PAD]
    out_ref[...] = dis * (p[:, :64] + mp_ref[:, :64]) + b_ref[...]


def kernel(x, edge_index, W1, b1, W2, b2, W3, b3):
    src = edge_index[0].astype(jnp.int32)
    dst = edge_index[1].astype(jnp.int32)
    npad = E_PAD - src.shape[0]
    pad = (N_NODES + ((jnp.arange(npad, dtype=jnp.int32)
                       + src.shape[0]) // EPW) % (N_PAD - N_NODES))
    srcw = jnp.concatenate([src, pad]).reshape(NW, NCHUNK, CHUNK)
    dstw = jnp.concatenate([dst, pad]).reshape(NW, NCHUNK, CHUNK)
    x_pad = jnp.concatenate(
        [x, jnp.zeros((N_PAD - N_NODES, x.shape[1]), x.dtype)])

    ones1h = jnp.zeros((CHUNK, 128), jnp.float32).at[:, 0].set(1.0)
    z128 = jnp.zeros((CHUNK, 128), jnp.float32)
    W3p = jnp.concatenate([W3, jnp.zeros((128, 64), W3.dtype)], axis=1)

    degp = _deg_call(dstw, ones1h, z128)

    mp1 = pl.pallas_call(
        _tc_pre1,
        out_shape=jax.ShapeDtypeStruct((N_PAD, 128), jnp.float32),
    )(degp, x_pad, W1)

    p1 = _agg_call(128, mp1, srcw, dstw, z128)

    mp2 = pl.pallas_call(
        _tc_mid,
        out_shape=jax.ShapeDtypeStruct((N_PAD, 128), jnp.float32),
    )(p1, mp1, degp, b1.reshape(1, 128), W2)

    p2 = _agg_call(128, mp2, srcw, dstw, z128)

    mp3 = pl.pallas_call(
        _tc_mid,
        out_shape=jax.ShapeDtypeStruct((N_PAD, 128), jnp.float32),
    )(p2, mp2, degp, b2.reshape(1, 128), W3p)

    p3 = _agg_call(128, mp3, srcw, dstw, z128)

    out = pl.pallas_call(
        _tc_post,
        out_shape=jax.ShapeDtypeStruct((N_PAD, 64), jnp.float32),
    )(p3, mp3, degp, b3.reshape(1, 64))

    return out[:N_NODES]

# --- scband reference (transcript-rebuilt; emitter-appended) ---
"""Pipeline reference for scband-transaction-gnn-7310034338256 (READ-ONLY COPY).

The authoritative reference and input builder live on the scoring server;
editing this copy changes nothing except your own understanding.
"""

import jax, jax.numpy as jnp
import numpy as np

N_NODES = 10000
N_EDGES = 320000
IN_DIM = 128
HID_DIM = 128
OUT_DIM = 64


def setup_inputs(seed: int = 0) -> dict:
    key = jax.random.key(seed)
    ks = jax.random.split(key, 8)
    x = jax.random.normal(ks[0], (N_NODES, IN_DIM), dtype=jnp.float32)
    edge_index = jax.random.randint(ks[1], (2, N_EDGES), 0, N_NODES, dtype=jnp.int64)
    # Glorot-style weights for the three GCNConv layers (lin weight + bias)
    W1 = jax.random.normal(ks[2], (IN_DIM, HID_DIM), dtype=jnp.float32) * (1.0 / np.sqrt(IN_DIM))
    b1 = jnp.zeros((HID_DIM,), dtype=jnp.float32)
    W2 = jax.random.normal(ks[3], (HID_DIM, HID_DIM), dtype=jnp.float32) * (1.0 / np.sqrt(HID_DIM))
    b2 = jnp.zeros((HID_DIM,), dtype=jnp.float32)
    W3 = jax.random.normal(ks[4], (HID_DIM, OUT_DIM), dtype=jnp.float32) * (1.0 / np.sqrt(HID_DIM))
    b3 = jnp.zeros((OUT_DIM,), dtype=jnp.float32)
    return {"x": x, "edge_index": edge_index, "W1": W1, "b1": b1, "W2": W2, "b2": b2, "W3": W3, "b3": b3}


def _gcn_norm(edge_index, num_nodes):
    # GCNConv default: add self-loops, symmetric normalization D^-1/2 A_hat D^-1/2
    loop = jnp.arange(num_nodes, dtype=edge_index.dtype)
    src = jnp.concatenate([edge_index[0], loop])
    dst = jnp.concatenate([edge_index[1], loop])
    deg = jnp.zeros((num_nodes,), dtype=jnp.float32).at[dst].add(1.0)
    deg_inv_sqrt = jnp.where(deg > 0, 1.0 / jnp.sqrt(deg), 0.0)
    norm = deg_inv_sqrt[src] * deg_inv_sqrt[dst]
    return src, dst, norm


def _gcn_conv(x, src, dst, norm, W, b, num_nodes):
    h = x @ W                      # linear transform
    msg = h[src] * norm[:, None]   # gather + normalize (message)
    out = jnp.zeros((num_nodes, h.shape[1]), dtype=h.dtype).at[dst].add(msg)  # scatter-add aggregate
    return out + b


def reference(x, edge_index, W1, b1, W2, b2, W3, b3):
    n = x.shape[0]
    src, dst, norm = _gcn_norm(edge_index, n)
    h = jax.nn.relu(_gcn_conv(x, src, dst, norm, W1, b1, n))
    # dropout is identity at inference
    h = jax.nn.relu(_gcn_conv(h, src, dst, norm, W2, b2, n))
    out = _gcn_conv(h, src, dst, norm, W3, b3, n)
    return out

if __name__ == "__main__":
    import jax
    _d = setup_inputs()
    print(jax.jit(kernel)(*tuple(_d.values())))

</pallas_src>

<mosaic_0001>
#map = affine_map<(d0, d1) -> (0, 0, 0)>
#map1 = affine_map<(d0, d1) -> (0, 0)>
module attributes {stable_mosaic.version = 14 : i64} {
  func.func @_deg_body(%arg0: i32, %arg1: i32, %arg2: memref<32x79x128xi32, #tpu.memory_space<hbm>>, %arg3: memref<128x128xf32, #tpu.memory_space<hbm>>, %arg4: memref<128x128xf32, #tpu.memory_space<hbm>>, %arg5: memref<2x10240x128xf32, #tpu.memory_space<hbm>>, %arg6: memref<79x128xi32, #tpu.memory_space<vmem>>, %arg7: memref<128x128xf32, #tpu.memory_space<vmem>>, %arg8: memref<10240x128xf32, #tpu.memory_space<vmem_shared>>) attributes {dimension_semantics = [#tpu.dimension_semantics<core_parallel>, #tpu.dimension_semantics<subcore_parallel>], iteration_bounds = array<i64: 2, 16>, scalar_prefetch = 0 : i64, scratch_operands = 3 : i64, tpu.core_type = #tpu.core_type<sc_vector_subcore>, window_params = [{transform_indices = #map}, {transform_indices = #map1}, {transform_indices = #map1}, {transform_indices = #map}]} {
    %mul3A = arith.constant 16 : i32
    %mul3A_0 = arith.muli %arg0, %mul3A : i32
    %add3A = arith.addi %mul3A_0, %arg1 : i32
    "tpu.region"() ({
      %run_scoped3A = tpu.sem_alloc : memref<!tpu.dma_semaphore, #tpu.memory_space<semaphore_mem>>
      tpu.enqueue_dma source(%arg4 : memref<128x128xf32, #tpu.memory_space<hbm>>) target(%arg7 : memref<128x128xf32, #tpu.memory_space<vmem>>) target_semaphore(%run_scoped3A : memref<!tpu.dma_semaphore, #tpu.memory_space<semaphore_mem>>)
      tpu.wait_dma2 semaphore(%run_scoped3A : memref<!tpu.dma_semaphore, #tpu.memory_space<semaphore_mem>>) src(%arg4 : memref<128x128xf32, #tpu.memory_space<hbm>>) dst(%arg7 : memref<128x128xf32, #tpu.memory_space<vmem>>)
      tpu.yield
    }) : () -> ()
    %mul3A_1 = arith.constant 640 : i32
    %mul3A_2 = arith.muli %arg1, %mul3A_1 : i32
    %add3A_3 = arith.constant 0 : i32
    %add3A_4 = arith.addi %mul3A_2, %add3A_3 : i32
    "tpu.region"() ({
      %run_scoped3A = tpu.sem_alloc : memref<!tpu.dma_semaphore, #tpu.memory_space<semaphore_mem>>
      %dma_start3A = arith.constant 0 : i32
      %dma_start3A_31 = tpu.memref_slice %arg8[%add3A_4, %dma_start3A] : memref<10240x128xf32, #tpu.memory_space<vmem_shared>> -> memref<128x128xf32, #tpu.memory_space<vmem_shared>>
      %dma_start3A_32 = arith.constant 0 : i32
      %dma_start3A_33 = tpu.memref_slice %arg8[%add3A_4, %dma_start3A_32] : memref<10240x128xf32, #tpu.memory_space<vmem_shared>> -> memref<128x128xf32, #tpu.memory_space<vmem_shared>>
      tpu.enqueue_dma source(%arg7 : memref<128x128xf32, #tpu.memory_space<vmem>>) target(%dma_start3A_33 : memref<128x128xf32, #tpu.memory_space<vmem_shared>>) target_semaphore(%run_scoped3A : memref<!tpu.dma_semaphore, #tpu.memory_space<semaphore_mem>>)
      %dma_wait3A = arith.constant 0 : i32
      %dma_wait3A_34 = tpu.memref_slice %arg8[%add3A_4, %dma_wait3A] : memref<10240x128xf32, #tpu.memory_space<vmem_shared>> -> memref<128x128xf32, #tpu.memory_space<vmem_shared>>
      %dma_wait3A_35 = arith.constant 0 : i32
      %dma_wait3A_36 = tpu.memref_slice %arg8[%add3A_4, %dma_wait3A_35] : memref<10240x128xf32, #tpu.memory_space<vmem_shared>> -> memref<128x128xf32, #tpu.memory_space<vmem_shared>>
      tpu.wait_dma2 semaphore(%run_scoped3A : memref<!tpu.dma_semaphore, #tpu.memory_space<semaphore_mem>>) src(%arg7 : memref<128x128xf32, #tpu.memory_space<vmem>>) dst(%dma_wait3A_36 : memref<128x128xf32, #tpu.memory_space<vmem_shared>>)
      tpu.yield
    }) : () -> ()
    %mul3A_5 = arith.constant 640 : i32
    %mul3A_6 = arith.muli %arg1, %mul3A_5 : i32
    %add3A_7 = arith.constant 128 : i32
    %add3A_8 = arith.addi %mul3A_6, %add3A_7 : i32
    "tpu.region"() ({
      %run_scoped3A = tpu.sem_alloc : memref<!tpu.dma_semaphore, #tpu.memory_space<semaphore_mem>>
      %dma_start3A = arith.constant 0 : i32
      %dma_start3A_31 = tpu.memref_slice %arg8[%add3A_8, %dma_start3A] : memref<10240x128xf32, #tpu.memory_space<vmem_shared>> -> memref<128x128xf32, #tpu.memory_space<vmem_shared>>
      %dma_start3A_32 = arith.constant 0 : i32
      %dma_start3A_33 = tpu.memref_slice %arg8[%add3A_8, %dma_start3A_32] : memref<10240x128xf32, #tpu.memory_space<vmem_shared>> -> memref<128x128xf32, #tpu.memory_space<vmem_shared>>
      tpu.enqueue_dma source(%arg7 : memref<128x128xf32, #tpu.memory_space<vmem>>) target(%dma_start3A_33 : memref<128x128xf32, #tpu.memory_space<vmem_shared>>) target_semaphore(%run_scoped3A : memref<!tpu.dma_semaphore, #tpu.memory_space<semaphore_mem>>)
      %dma_wait3A = arith.constant 0 : i32
      %dma_wait3A_34 = tpu.memref_slice %arg8[%add3A_8, %dma_wait3A] : memref<10240x128xf32, #tpu.memory_space<vmem_shared>> -> memref<128x128xf32, #tpu.memory_space<vmem_shared>>
      %dma_wait3A_35 = arith.constant 0 : i32
      %dma_wait3A_36 = tpu.memref_slice %arg8[%add3A_8, %dma_wait3A_35] : memref<10240x128xf32, #tpu.memory_space<vmem_shared>> -> memref<128x128xf32, #tpu.memory_space<vmem_shared>>
      tpu.wait_dma2 semaphore(%run_scoped3A : memref<!tpu.dma_semaphore, #tpu.memory_space<semaphore_mem>>) src(%arg7 : memref<128x128xf32, #tpu.memory_space<vmem>>) dst(%dma_wait3A_36 : memref<128x128xf32, #tpu.memory_space<vmem_shared>>)
      tpu.yield
    }) : () -> ()
    %mul3A_9 = arith.constant 640 : i32
    %mul3A_10 = arith.muli %arg1, %mul3A_9 : i32
    %add3A_11 = arith.constant 256 : i32
    %add3A_12 = arith.addi %mul3A_10, %add3A_11 : i32
    "tpu.region"() ({
      %run_scoped3A = tpu.sem_alloc : memref<!tpu.dma_semaphore, #tpu.memory_space<semaphore_mem>>
      %dma_start3A = arith.constant 0 : i32
      %dma_start3A_31 = tpu.memref_slice %arg8[%add3A_12, %dma_start3A] : memref<10240x128xf32, #tpu.memory_space<vmem_shared>> -> memref<128x128xf32, #tpu.memory_space<vmem_shared>>
      %dma_start3A_32 = arith.constant 0 : i32
      %dma_start3A_33 = tpu.memref_slice %arg8[%add3A_12, %dma_start3A_32] : memref<10240x128xf32, #tpu.memory_space<vmem_shared>> -> memref<128x128xf32, #tpu.memory_space<vmem_shared>>
      tpu.enqueue_dma source(%arg7 : memref<128x128xf32, #tpu.memory_space<vmem>>) target(%dma_start3A_33 : memref<128x128xf32, #tpu.memory_space<vmem_shared>>) target_semaphore(%run_scoped3A : memref<!tpu.dma_semaphore, #tpu.memory_space<semaphore_mem>>)
      %dma_wait3A = arith.constant 0 : i32
      %dma_wait3A_34 = tpu.memref_slice %arg8[%add3A_12, %dma_wait3A] : memref<10240x128xf32, #tpu.memory_space<vmem_shared>> -> memref<128x128xf32, #tpu.memory_space<vmem_shared>>
      %dma_wait3A_35 = arith.constant 0 : i32
      %dma_wait3A_36 = tpu.memref_slice %arg8[%add3A_12, %dma_wait3A_35] : memref<10240x128xf32, #tpu.memory_space<vmem_shared>> -> memref<128x128xf32, #tpu.memory_space<vmem_shared>>
      tpu.wait_dma2 semaphore(%run_scoped3A : memref<!tpu.dma_semaphore, #tpu.memory_space<semaphore_mem>>) src(%arg7 : memref<128x128xf32, #tpu.memory_space<vmem>>) dst(%dma_wait3A_36 : memref<128x128xf32, #tpu.memory_space<vmem_shared>>)
      tpu.yield
    }) : () -> ()
    %mul3A_13 = arith.constant 640 : i32
    %mul3A_14 = arith.muli %arg1, %mul3A_13 : i32
    %add3A_15 = arith.constant 384 : i32
    %add3A_16 = arith.addi %mul3A_14, %add3A_15 : i32
    "tpu.region"() ({
      %run_scoped3A = tpu.sem_alloc : memref<!tpu.dma_semaphore, #tpu.memory_space<semaphore_mem>>
      %dma_start3A = arith.constant 0 : i32
      %dma_start3A_31 = tpu.memref_slice %arg8[%add3A_16, %dma_start3A] : memref<10240x128xf32, #tpu.memory_space<vmem_shared>> -> memref<128x128xf32, #tpu.memory_space<vmem_shared>>
      %dma_start3A_32 = arith.constant 0 : i32
      %dma_start3A_33 = tpu.memref_slice %arg8[%add3A_16, %dma_start3A_32] : memref<10240x128xf32, #tpu.memory_space<vmem_shared>> -> memref<128x128xf32, #tpu.memory_space<vmem_shared>>
      tpu.enqueue_dma source(%arg7 : memref<128x128xf32, #tpu.memory_space<vmem>>) target(%dma_start3A_33 : memref<128x128xf32, #tpu.memory_space<vmem_shared>>) target_semaphore(%run_scoped3A : memref<!tpu.dma_semaphore, #tpu.memory_space<semaphore_mem>>)
      %dma_wait3A = arith.constant 0 : i32
      %dma_wait3A_34 = tpu.memref_slice %arg8[%add3A_16, %dma_wait3A] : memref<10240x128xf32, #tpu.memory_space<vmem_shared>> -> memref<128x128xf32, #tpu.memory_space<vmem_shared>>
      %dma_wait3A_35 = arith.constant 0 : i32
      %dma_wait3A_36 = tpu.memref_slice %arg8[%add3A_16, %dma_wait3A_35] : memref<10240x128xf32, #tpu.memory_space<vmem_shared>> -> memref<128x128xf32, #tpu.memory_space<vmem_shared>>
      tpu.wait_dma2 semaphore(%run_scoped3A : memref<!tpu.dma_semaphore, #tpu.memory_space<semaphore_mem>>) src(%arg7 : memref<128x128xf32, #tpu.memory_space<vmem>>) dst(%dma_wait3A_36 : memref<128x128xf32, #tpu.memory_space<vmem_shared>>)
      tpu.yield
    }) : () -> ()
    %mul3A_17 = arith.constant 640 : i32
    %mul3A_18 = arith.muli %arg1, %mul3A_17 : i32
    %add3A_19 = arith.constant 512 : i32
    %add3A_20 = arith.addi %mul3A_18, %add3A_19 : i32
    "tpu.region"() ({
      %run_scoped3A = tpu.sem_alloc : memref<!tpu.dma_semaphore, #tpu.memory_space<semaphore_mem>>
      %dma_start3A = arith.constant 0 : i32
      %dma_start3A_31 = tpu.memref_slice %arg8[%add3A_20, %dma_start3A] : memref<10240x128xf32, #tpu.memory_space<vmem_shared>> -> memref<128x128xf32, #tpu.memory_space<vmem_shared>>
      %dma_start3A_32 = arith.constant 0 : i32
      %dma_start3A_33 = tpu.memref_slice %arg8[%add3A_20, %dma_start3A_32] : memref<10240x128xf32, #tpu.memory_space<vmem_shared>> -> memref<128x128xf32, #tpu.memory_space<vmem_shared>>
      tpu.enqueue_dma source(%arg7 : memref<128x128xf32, #tpu.memory_space<vmem>>) target(%dma_start3A_33 : memref<128x128xf32, #tpu.memory_space<vmem_shared>>) target_semaphore(%run_scoped3A : memref<!tpu.dma_semaphore, #tpu.memory_space<semaphore_mem>>)
      %dma_wait3A = arith.constant 0 : i32
      %dma_wait3A_34 = tpu.memref_slice %arg8[%add3A_20, %dma_wait3A] : memref<10240x128xf32, #tpu.memory_space<vmem_shared>> -> memref<128x128xf32, #tpu.memory_space<vmem_shared>>
      %dma_wait3A_35 = arith.constant 0 : i32
      %dma_wait3A_36 = tpu.memref_slice %arg8[%add3A_20, %dma_wait3A_35] : memref<10240x128xf32, #tpu.memory_space<vmem_shared>> -> memref<128x128xf32, #tpu.memory_space<vmem_shared>>
      tpu.wait_dma2 semaphore(%run_scoped3A : memref<!tpu.dma_semaphore, #tpu.memory_space<semaphore_mem>>) src(%arg7 : memref<128x128xf32, #tpu.memory_space<vmem>>) dst(%dma_wait3A_36 : memref<128x128xf32, #tpu.memory_space<vmem_shared>>)
      tpu.yield
    }) : () -> ()
    "tpu.region"() ({
      %run_scoped3A = tpu.sem_alloc : memref<!tpu.dma_semaphore, #tpu.memory_space<semaphore_mem>>
      tpu.enqueue_dma source(%arg3 : memref<128x128xf32, #tpu.memory_space<hbm>>) target(%arg7 : memref<128x128xf32, #tpu.memory_space<vmem>>) target_semaphore(%run_scoped3A : memref<!tpu.dma_semaphore, #tpu.memory_space<semaphore_mem>>)
      tpu.wait_dma2 semaphore(%run_scoped3A : memref<!tpu.dma_semaphore, #tpu.memory_space<semaphore_mem>>) src(%arg3 : memref<128x128xf32, #tpu.memory_space<hbm>>) dst(%arg7 : memref<128x128xf32, #tpu.memory_space<vmem>>)
      tpu.yield
    }) : () -> ()
    "tpu.region"() ({
      %run_scoped3A = tpu.sem_alloc : memref<!tpu.dma_semaphore, #tpu.memory_space<semaphore_mem>>
      %dma_start3A = arith.constant 0 : i32
      %dma_start3A_31 = arith.constant 0 : i32
      %dma_start3A_32 = tpu.memref_slice %arg2[%add3A, %dma_start3A, %dma_start3A_31] : memref<32x79x128xi32, #tpu.memory_space<hbm>> -> memref<1x79x128xi32, #tpu.memory_space<hbm>>
      %dma_start3A_33 = tpu.memref_squeeze %dma_start3A_32 : memref<1x79x128xi32, #tpu.memory_space<hbm>> -> memref<79x128xi32, #tpu.memory_space<hbm>>
      %dma_start3A_34 = arith.constant 0 : i32
      %dma_start3A_35 = arith.constant 0 : i32
      %dma_start3A_36 = tpu.memref_slice %arg2[%add3A, %dma_start3A_34, %dma_start3A_35] : memref<32x79x128xi32, #tpu.memory_space<hbm>> -> memref<1x79x128xi32, #tpu.memory_space<hbm>>
      %dma_start3A_37 = tpu.memref_squeeze %dma_start3A_36 : memref<1x79x128xi32, #tpu.memory_space<hbm>> -> memref<79x128xi32, #tpu.memory_space<hbm>>
      tpu.enqueue_dma source(%dma_start3A_37 : memref<79x128xi32, #tpu.memory_space<hbm>>) target(%arg6 : memref<79x128xi32, #tpu.memory_space<vmem>>) target_semaphore(%run_scoped3A : memref<!tpu.dma_semaphore, #tpu.memory_space<semaphore_mem>>)
      %dma_wait3A = arith.constant 0 : i32
      %dma_wait3A_38 = arith.constant 0 : i32
      %dma_wait3A_39 = tpu.memref_slice %arg2[%add3A, %dma_wait3A, %dma_wait3A_38] : memref<32x79x128xi32, #tpu.memory_space<hbm>> -> memref<1x79x128xi32, #tpu.memory_space<hbm>>
      %dma_wait3A_40 = tpu.memref_squeeze %dma_wait3A_39 : memref<1x79x128xi32, #tpu.memory_space<hbm>> -> memref<79x128xi32, #tpu.memory_space<hbm>>
      %dma_wait3A_41 = arith.constant 0 : i32
      %dma_wait3A_42 = arith.constant 0 : i32
      %dma_wait3A_43 = tpu.memref_slice %arg2[%add3A, %dma_wait3A_41, %dma_wait3A_42] : memref<32x79x128xi32, #tpu.memory_space<hbm>> -> memref<1x79x128xi32, #tpu.memory_space<hbm>>
      %dma_wait3A_44 = tpu.memref_squeeze %dma_wait3A_43 : memref<1x79x128xi32, #tpu.memory_space<hbm>> -> memref<79x128xi32, #tpu.memory_space<hbm>>
      tpu.wait_dma2 semaphore(%run_scoped3A : memref<!tpu.dma_semaphore, #tpu.memory_space<semaphore_mem>>) src(%dma_wait3A_44 : memref<79x128xi32, #tpu.memory_space<hbm>>) dst(%arg6 : memref<79x128xi32, #tpu.memory_space<vmem>>)
      tpu.yield
    }) : () -> ()
    %barrier3A = arith.constant 0 : index
    tpu.barrier barrier_id(%barrier3A)
    %scan3A = arith.constant 0 : i32
    %scan3A_21 = arith.constant 0 : i32
    %scan3A_22 = arith.constant 79 : i32
    %scan3A_23 = arith.addi %scan3A_21, %scan3A_22 : i32
    %scan3A_24 = arith.constant 1 : i32
    scf.for %scan3A_31 = %scan3A_21 to %scan3A_23 step %scan3A_24  : i32 {
      "tpu.region"() ({
        %run_scoped3A = tpu.sem_alloc : memref<!tpu.dma_semaphore, #tpu.memory_space<semaphore_mem>>
        %dma_start3A = arith.constant 0 : i32
        %dma_start3A_32 = tpu.memref_slice %arg6[%scan3A_31, %dma_start3A] : memref<79x128xi32, #tpu.memory_space<vmem>> -> memref<1x128xi32, #tpu.memory_space<vmem>>
        %dma_start3A_33 = tpu.memref_squeeze %dma_start3A_32 : memref<1x128xi32, #tpu.memory_space<vmem>> -> memref<128xi32, #tpu.memory_space<vmem>>
        %dma_start3A_34 = arith.constant 0 : i32
        %dma_start3A_35 = arith.constant 0 : i32
        %dma_start3A_36 = tpu.memref_slice %arg8[%dma_start3A_34, %dma_start3A_35] : memref<10240x128xf32, #tpu.memory_space<vmem_shared>> -> memref<10240x128xf32, #tpu.memory_space<vmem_shared>>
        tpu.enqueue_indirect_dma source(%arg7 : memref<128x128xf32, #tpu.memory_space<vmem>>) target(%dma_start3A_36 : memref<10240x128xf32, #tpu.memory_space<vmem_shared>>) offsets(%dma_start3A_33 : memref<128xi32, #tpu.memory_space<vmem>>) semaphore(%run_scoped3A : memref<!tpu.dma_semaphore, #tpu.memory_space<semaphore_mem>>) {add = true}
        %dma_wait3A = arith.constant 0 : i32
        %dma_wait3A_37 = tpu.memref_slice %arg6[%scan3A_31, %dma_wait3A] : memref<79x128xi32, #tpu.memory_space<vmem>> -> memref<1x128xi32, #tpu.memory_space<vmem>>
        %dma_wait3A_38 = tpu.memref_squeeze %dma_wait3A_37 : memref<1x128xi32, #tpu.memory_space<vmem>> -> memref<128xi32, #tpu.memory_space<vmem>>
        %dma_wait3A_39 = arith.constant 0 : i32
        %dma_wait3A_40 = arith.constant 0 : i32
        %dma_wait3A_41 = tpu.memref_slice %arg8[%dma_wait3A_39, %dma_wait3A_40] : memref<10240x128xf32, #tpu.memory_space<vmem_shared>> -> memref<10240x128xf32, #tpu.memory_space<vmem_shared>>
        tpu.wait_indirect_dma semaphore(%run_scoped3A : memref<!tpu.dma_semaphore, #tpu.memory_space<semaphore_mem>>) src(%arg7 : memref<128x128xf32, #tpu.memory_space<vmem>>) dst(%dma_wait3A_41 : memref<10240x128xf32, #tpu.memory_space<vmem_shared>>)
        tpu.yield
      }) : () -> ()
    }
    %scan3A_25 = arith.constant 79 : i32
    %barrier3A_26 = arith.constant 0 : index
    tpu.barrier barrier_id(%barrier3A_26)
    %mul3A_27 = arith.constant 640 : i32
    %mul3A_28 = arith.muli %arg1, %mul3A_27 : i32
    %mul3A_29 = arith.constant 640 : i32
    %mul3A_30 = arith.muli %arg1, %mul3A_29 : i32
    "tpu.region"() ({
      %run_scoped3A = tpu.sem_alloc : memref<!tpu.dma_semaphore, #tpu.memory_space<semaphore_mem>>
      %dma_start3A = arith.constant 0 : i32
      %dma_start3A_31 = tpu.memref_slice %arg5[%arg0, %mul3A_30, %dma_start3A] : memref<2x10240x128xf32, #tpu.memory_space<hbm>> -> memref<1x640x128xf32, #tpu.memory_space<hbm>>
      %dma_start3A_32 = tpu.memref_squeeze %dma_start3A_31 : memref<1x640x128xf32, #tpu.memory_space<hbm>> -> memref<640x128xf32, #tpu.memory_space<hbm>>
      %dma_start3A_33 = arith.constant 0 : i32
      %dma_start3A_34 = tpu.memref_slice %arg8[%mul3A_28, %dma_start3A_33] : memref<10240x128xf32, #tpu.memory_space<vmem_shared>> -> memref<640x128xf32, #tpu.memory_space<vmem_shared>>
      tpu.enqueue_dma source(%dma_start3A_34 : memref<640x128xf32, #tpu.memory_space<vmem_shared>>) target(%dma_start3A_32 : memref<640x128xf32, #tpu.memory_space<hbm>>) target_semaphore(%run_scoped3A : memref<!tpu.dma_semaphore, #tpu.memory_space<semaphore_mem>>)
      %dma_wait3A = arith.constant 0 : i32
      %dma_wait3A_35 = tpu.memref_slice %arg5[%arg0, %mul3A_30, %dma_wait3A] : memref<2x10240x128xf32, #tpu.memory_space<hbm>> -> memref<1x640x128xf32, #tpu.memory_space<hbm>>
      %dma_wait3A_36 = tpu.memref_squeeze %dma_wait3A_35 : memref<1x640x128xf32, #tpu.memory_space<hbm>> -> memref<640x128xf32, #tpu.memory_space<hbm>>
      %dma_wait3A_37 = arith.constant 0 : i32
      %dma_wait3A_38 = tpu.memref_slice %arg8[%mul3A_28, %dma_wait3A_37] : memref<10240x128xf32, #tpu.memory_space<vmem_shared>> -> memref<640x128xf32, #tpu.memory_space<vmem_shared>>
      tpu.wait_dma2 semaphore(%run_scoped3A : memref<!tpu.dma_semaphore, #tpu.memory_space<semaphore_mem>>) src(%dma_wait3A_38 : memref<640x128xf32, #tpu.memory_space<vmem_shared>>) dst(%dma_wait3A_36 : memref<640x128xf32, #tpu.memory_space<hbm>>)
      tpu.yield
    }) : () -> ()
    return
  }
}

#map = affine_map<(d0, d1) -> (0, 0)>
#map1 = affine_map<(d0, d1) -> (0, 0, 0)>
module attributes {stable_mosaic.version = 14 : i64} {
  func.func @_agg_body(%arg0: i32, %arg1: i32, %arg2: memref<10016x128xf32, #tpu.memory_space<hbm>>, %arg3: memref<32x79x128xi32, #tpu.memory_space<hbm>>, %arg4: memref<32x79x128xi32, #tpu.memory_space<hbm>>, %arg5: memref<128x128xf32, #tpu.memory_space<hbm>>, %arg6: memref<2x10240x128xf32, #tpu.memory_space<hbm>>, %arg7: memref<79x128xi32, #tpu.memory_space<vmem>>, %arg8: memref<79x128xi32, #tpu.memory_space<vmem>>, %arg9: memref<128x128xf32, #tpu.memory_space<vmem>>, %arg10: memref<10240x128xf32, #tpu.memory_space<vmem_shared>>) attributes {dimension_semantics = [#tpu.dimension_semantics<core_parallel>, #tpu.dimension_semantics<subcore_parallel>], iteration_bounds = array<i64: 2, 16>, scalar_prefetch = 0 : i64, scratch_operands = 4 : i64, tpu.core_type = #tpu.core_type<sc_vector_subcore>, window_params = [{transform_indices = #map}, {transform_indices = #map1}, {transform_indices = #map1}, {transform_indices = #map}, {transform_indices = #map1}]} {
    %mul3A = arith.constant 16 : i32
    %mul3A_0 = arith.muli %arg0, %mul3A : i32
    %add3A = arith.addi %mul3A_0, %arg1 : i32
    "tpu.region"() ({
      %run_scoped3A = tpu.sem_alloc : memref<!tpu.dma_semaphore, #tpu.memory_space<semaphore_mem>>
      tpu.enqueue_dma source(%arg5 : memref<128x128xf32, #tpu.memory_space<hbm>>) target(%arg9 : memref<128x128xf32, #tpu.memory_space<vmem>>) target_semaphore(%run_scoped3A : memref<!tpu.dma_semaphore, #tpu.memory_space<semaphore_mem>>)
      tpu.wait_dma2 semaphore(%run_scoped3A : memref<!tpu.dma_semaphore, #tpu.memory_space<semaphore_mem>>) src(%arg5 : memref<128x128xf32, #tpu.memory_space<hbm>>) dst(%arg9 : memref<128x128xf32, #tpu.memory_space<vmem>>)
      tpu.yield
    }) : () -> ()
    %mul3A_1 = arith.constant 640 : i32
    %mul3A_2 = arith.muli %arg1, %mul3A_1 : i32
    %add3A_3 = arith.constant 0 : i32
    %add3A_4 = arith.addi %mul3A_2, %add3A_3 : i32
    "tpu.region"() ({
      %run_scoped3A = tpu.sem_alloc : memref<!tpu.dma_semaphore, #tpu.memory_space<semaphore_mem>>
      %dma_start3A = arith.constant 0 : i32
      %dma_start3A_31 = tpu.memref_slice %arg10[%add3A_4, %dma_start3A] : memref<10240x128xf32, #tpu.memory_space<vmem_shared>> -> memref<128x128xf32, #tpu.memory_space<vmem_shared>>
      %dma_start3A_32 = arith.constant 0 : i32
      %dma_start3A_33 = tpu.memref_slice %arg10[%add3A_4, %dma_start3A_32] : memref<10240x128xf32, #tpu.memory_space<vmem_shared>> -> memref<128x128xf32, #tpu.memory_space<vmem_shared>>
      tpu.enqueue_dma source(%arg9 : memref<128x128xf32, #tpu.memory_space<vmem>>) target(%dma_start3A_33 : memref<128x128xf32, #tpu.memory_space<vmem_shared>>) target_semaphore(%run_scoped3A : memref<!tpu.dma_semaphore, #tpu.memory_space<semaphore_mem>>)
      %dma_wait3A = arith.constant 0 : i32
      %dma_wait3A_34 = tpu.memref_slice %arg10[%add3A_4, %dma_wait3A] : memref<10240x128xf32, #tpu.memory_space<vmem_shared>> -> memref<128x128xf32, #tpu.memory_space<vmem_shared>>
      %dma_wait3A_35 = arith.constant 0 : i32
      %dma_wait3A_36 = tpu.memref_slice %arg10[%add3A_4, %dma_wait3A_35] : memref<10240x128xf32, #tpu.memory_space<vmem_shared>> -> memref<128x128xf32, #tpu.memory_space<vmem_shared>>
      tpu.wait_dma2 semaphore(%run_scoped3A : memref<!tpu.dma_semaphore, #tpu.memory_space<semaphore_mem>>) src(%arg9 : memref<128x128xf32, #tpu.memory_space<vmem>>) dst(%dma_wait3A_36 : memref<128x128xf32, #tpu.memory_space<vmem_shared>>)
      tpu.yield
    }) : () -> ()
    %mul3A_5 = arith.constant 640 : i32
    %mul3A_6 = arith.muli %arg1, %mul3A_5 : i32
    %add3A_7 = arith.constant 128 : i32
    %add3A_8 = arith.addi %mul3A_6, %add3A_7 : i32
    "tpu.region"() ({
      %run_scoped3A = tpu.sem_alloc : memref<!tpu.dma_semaphore, #tpu.memory_space<semaphore_mem>>
      %dma_start3A = arith.constant 0 : i32
      %dma_start3A_31 = tpu.memref_slice %arg10[%add3A_8, %dma_start3A] : memref<10240x128xf32, #tpu.memory_space<vmem_shared>> -> memref<128x128xf32, #tpu.memory_space<vmem_shared>>
      %dma_start3A_32 = arith.constant 0 : i32
      %dma_start3A_33 = tpu.memref_slice %arg10[%add3A_8, %dma_start3A_32] : memref<10240x128xf32, #tpu.memory_space<vmem_shared>> -> memref<128x128xf32, #tpu.memory_space<vmem_shared>>
      tpu.enqueue_dma source(%arg9 : memref<128x128xf32, #tpu.memory_space<vmem>>) target(%dma_start3A_33 : memref<128x128xf32, #tpu.memory_space<vmem_shared>>) target_semaphore(%run_scoped3A : memref<!tpu.dma_semaphore, #tpu.memory_space<semaphore_mem>>)
      %dma_wait3A = arith.constant 0 : i32
      %dma_wait3A_34 = tpu.memref_slice %arg10[%add3A_8, %dma_wait3A] : memref<10240x128xf32, #tpu.memory_space<vmem_shared>> -> memref<128x128xf32, #tpu.memory_space<vmem_shared>>
      %dma_wait3A_35 = arith.constant 0 : i32
      %dma_wait3A_36 = tpu.memref_slice %arg10[%add3A_8, %dma_wait3A_35] : memref<10240x128xf32, #tpu.memory_space<vmem_shared>> -> memref<128x128xf32, #tpu.memory_space<vmem_shared>>
      tpu.wait_dma2 semaphore(%run_scoped3A : memref<!tpu.dma_semaphore, #tpu.memory_space<semaphore_mem>>) src(%arg9 : memref<128x128xf32, #tpu.memory_space<vmem>>) dst(%dma_wait3A_36 : memref<128x128xf32, #tpu.memory_space<vmem_shared>>)
      tpu.yield
    }) : () -> ()
    %mul3A_9 = arith.constant 640 : i32
    %mul3A_10 = arith.muli %arg1, %mul3A_9 : i32
    %add3A_11 = arith.constant 256 : i32
    %add3A_12 = arith.addi %mul3A_10, %add3A_11 : i32
    "tpu.region"() ({
      %run_scoped3A = tpu.sem_alloc : memref<!tpu.dma_semaphore, #tpu.memory_space<semaphore_mem>>
      %dma_start3A = arith.constant 0 : i32
      %dma_start3A_31 = tpu.memref_slice %arg10[%add3A_12, %dma_start3A] : memref<10240x128xf32, #tpu.memory_space<vmem_shared>> -> memref<128x128xf32, #tpu.memory_space<vmem_shared>>
      %dma_start3A_32 = arith.constant 0 : i32
      %dma_start3A_33 = tpu.memref_slice %arg10[%add3A_12, %dma_start3A_32] : memref<10240x128xf32, #tpu.memory_space<vmem_shared>> -> memref<128x128xf32, #tpu.memory_space<vmem_shared>>
      tpu.enqueue_dma source(%arg9 : memref<128x128xf32, #tpu.memory_space<vmem>>) target(%dma_start3A_33 : memref<128x128xf32, #tpu.memory_space<vmem_shared>>) target_semaphore(%run_scoped3A : memref<!tpu.dma_semaphore, #tpu.memory_space<semaphore_mem>>)
      %dma_wait3A = arith.constant 0 : i32
      %dma_wait3A_34 = tpu.memref_slice %arg10[%add3A_12, %dma_wait3A] : memref<10240x128xf32, #tpu.memory_space<vmem_shared>> -> memref<128x128xf32, #tpu.memory_space<vmem_shared>>
      %dma_wait3A_35 = arith.constant 0 : i32
      %dma_wait3A_36 = tpu.memref_slice %arg10[%add3A_12, %dma_wait3A_35] : memref<10240x128xf32, #tpu.memory_space<vmem_shared>> -> memref<128x128xf32, #tpu.memory_space<vmem_shared>>
      tpu.wait_dma2 semaphore(%run_scoped3A : memref<!tpu.dma_semaphore, #tpu.memory_space<semaphore_mem>>) src(%arg9 : memref<128x128xf32, #tpu.memory_space<vmem>>) dst(%dma_wait3A_36 : memref<128x128xf32, #tpu.memory_space<vmem_shared>>)
      tpu.yield
    }) : () -> ()
    %mul3A_13 = arith.constant 640 : i32
    %mul3A_14 = arith.muli %arg1, %mul3A_13 : i32
    %add3A_15 = arith.constant 384 : i32
    %add3A_16 = arith.addi %mul3A_14, %add3A_15 : i32
    "tpu.region"() ({
      %run_scoped3A = tpu.sem_alloc : memref<!tpu.dma_semaphore, #tpu.memory_space<semaphore_mem>>
      %dma_start3A = arith.constant 0 : i32
      %dma_start3A_31 = tpu.memref_slice %arg10[%add3A_16, %dma_start3A] : memref<10240x128xf32, #tpu.memory_space<vmem_shared>> -> memref<128x128xf32, #tpu.memory_space<vmem_shared>>
      %dma_start3A_32 = arith.constant 0 : i32
      %dma_start3A_33 = tpu.memref_slice %arg10[%add3A_16, %dma_start3A_32] : memref<10240x128xf32, #tpu.memory_space<vmem_shared>> -> memref<128x128xf32, #tpu.memory_space<vmem_shared>>
      tpu.enqueue_dma source(%arg9 : memref<128x128xf32, #tpu.memory_space<vmem>>) target(%dma_start3A_33 : memref<128x128xf32, #tpu.memory_space<vmem_shared>>) target_semaphore(%run_scoped3A : memref<!tpu.dma_semaphore, #tpu.memory_space<semaphore_mem>>)
      %dma_wait3A = arith.constant 0 : i32
      %dma_wait3A_34 = tpu.memref_slice %arg10[%add3A_16, %dma_wait3A] : memref<10240x128xf32, #tpu.memory_space<vmem_shared>> -> memref<128x128xf32, #tpu.memory_space<vmem_shared>>
      %dma_wait3A_35 = arith.constant 0 : i32
      %dma_wait3A_36 = tpu.memref_slice %arg10[%add3A_16, %dma_wait3A_35] : memref<10240x128xf32, #tpu.memory_space<vmem_shared>> -> memref<128x128xf32, #tpu.memory_space<vmem_shared>>
      tpu.wait_dma2 semaphore(%run_scoped3A : memref<!tpu.dma_semaphore, #tpu.memory_space<semaphore_mem>>) src(%arg9 : memref<128x128xf32, #tpu.memory_space<vmem>>) dst(%dma_wait3A_36 : memref<128x128xf32, #tpu.memory_space<vmem_shared>>)
      tpu.yield
    }) : () -> ()
    %mul3A_17 = arith.constant 640 : i32
    %mul3A_18 = arith.muli %arg1, %mul3A_17 : i32
    %add3A_19 = arith.constant 512 : i32
    %add3A_20 = arith.addi %mul3A_18, %add3A_19 : i32
    "tpu.region"() ({
      %run_scoped3A = tpu.sem_alloc : memref<!tpu.dma_semaphore, #tpu.memory_space<semaphore_mem>>
      %dma_start3A = arith.constant 0 : i32
      %dma_start3A_31 = tpu.memref_slice %arg10[%add3A_20, %dma_start3A] : memref<10240x128xf32, #tpu.memory_space<vmem_shared>> -> memref<128x128xf32, #tpu.memory_space<vmem_shared>>
      %dma_start3A_32 = arith.constant 0 : i32
      %dma_start3A_33 = tpu.memref_slice %arg10[%add3A_20, %dma_start3A_32] : memref<10240x128xf32, #tpu.memory_space<vmem_shared>> -> memref<128x128xf32, #tpu.memory_space<vmem_shared>>
      tpu.enqueue_dma source(%arg9 : memref<128x128xf32, #tpu.memory_space<vmem>>) target(%dma_start3A_33 : memref<128x128xf32, #tpu.memory_space<vmem_shared>>) target_semaphore(%run_scoped3A : memref<!tpu.dma_semaphore, #tpu.memory_space<semaphore_mem>>)
      %dma_wait3A = arith.constant 0 : i32
      %dma_wait3A_34 = tpu.memref_slice %arg10[%add3A_20, %dma_wait3A] : memref<10240x128xf32, #tpu.memory_space<vmem_shared>> -> memref<128x128xf32, #tpu.memory_space<vmem_shared>>
      %dma_wait3A_35 = arith.constant 0 : i32
      %dma_wait3A_36 = tpu.memref_slice %arg10[%add3A_20, %dma_wait3A_35] : memref<10240x128xf32, #tpu.memory_space<vmem_shared>> -> memref<128x128xf32, #tpu.memory_space<vmem_shared>>
      tpu.wait_dma2 semaphore(%run_scoped3A : memref<!tpu.dma_semaphore, #tpu.memory_space<semaphore_mem>>) src(%arg9 : memref<128x128xf32, #tpu.memory_space<vmem>>) dst(%dma_wait3A_36 : memref<128x128xf32, #tpu.memory_space<vmem_shared>>)
      tpu.yield
    }) : () -> ()
    "tpu.region"() ({
      %run_scoped3A = tpu.sem_alloc : memref<!tpu.dma_semaphore, #tpu.memory_space<semaphore_mem>>
      %dma_start3A = arith.constant 0 : i32
      %dma_start3A_31 = arith.constant 0 : i32
      %dma_start3A_32 = tpu.memref_slice %arg3[%add3A, %dma_start3A, %dma_start3A_31] : memref<32x79x128xi32, #tpu.memory_space<hbm>> -> memref<1x79x128xi32, #tpu.memory_space<hbm>>
      %dma_start3A_33 = tpu.memref_squeeze %dma_start3A_32 : memref<1x79x128xi32, #tpu.memory_space<hbm>> -> memref<79x128xi32, #tpu.memory_space<hbm>>
      %dma_start3A_34 = arith.constant 0 : i32
      %dma_start3A_35 = arith.constant 0 : i32
      %dma_start3A_36 = tpu.memref_slice %arg3[%add3A, %dma_start3A_34, %dma_start3A_35] : memref<32x79x128xi32, #tpu.memory_space<hbm>> -> memref<1x79x128xi32, #tpu.memory_space<hbm>>
      %dma_start3A_37 = tpu.memref_squeeze %dma_start3A_36 : memref<1x79x128xi32, #tpu.memory_space<hbm>> -> memref<79x128xi32, #tpu.memory_space<hbm>>
      tpu.enqueue_dma source(%dma_start3A_37 : memref<79x128xi32, #tpu.memory_space<hbm>>) target(%arg7 : memref<79x128xi32, #tpu.memory_space<vmem>>) target_semaphore(%run_scoped3A : memref<!tpu.dma_semaphore, #tpu.memory_space<semaphore_mem>>)
      %dma_wait3A = arith.constant 0 : i32
      %dma_wait3A_38 = arith.constant 0 : i32
      %dma_wait3A_39 = tpu.memref_slice %arg3[%add3A, %dma_wait3A, %dma_wait3A_38] : memref<32x79x128xi32, #tpu.memory_space<hbm>> -> memref<1x79x128xi32, #tpu.memory_space<hbm>>
      %dma_wait3A_40 = tpu.memref_squeeze %dma_wait3A_39 : memref<1x79x128xi32, #tpu.memory_space<hbm>> -> memref<79x128xi32, #tpu.memory_space<hbm>>
      %dma_wait3A_41 = arith.constant 0 : i32
      %dma_wait3A_42 = arith.constant 0 : i32
      %dma_wait3A_43 = tpu.memref_slice %arg3[%add3A, %dma_wait3A_41, %dma_wait3A_42] : memref<32x79x128xi32, #tpu.memory_space<hbm>> -> memref<1x79x128xi32, #tpu.memory_space<hbm>>
      %dma_wait3A_44 = tpu.memref_squeeze %dma_wait3A_43 : memref<1x79x128xi32, #tpu.memory_space<hbm>> -> memref<79x128xi32, #tpu.memory_space<hbm>>
      tpu.wait_dma2 semaphore(%run_scoped3A : memref<!tpu.dma_semaphore, #tpu.memory_space<semaphore_mem>>) src(%dma_wait3A_44 : memref<79x128xi32, #tpu.memory_space<hbm>>) dst(%arg7 : memref<79x128xi32, #tpu.memory_space<vmem>>)
      tpu.yield
    }) : () -> ()
    "tpu.region"() ({
      %run_scoped3A = tpu.sem_alloc : memref<!tpu.dma_semaphore, #tpu.memory_space<semaphore_mem>>
      %dma_start3A = arith.constant 0 : i32
      %dma_start3A_31 = arith.constant 0 : i32
      %dma_start3A_32 = tpu.memref_slice %arg4[%add3A, %dma_start3A, %dma_start3A_31] : memref<32x79x128xi32, #tpu.memory_space<hbm>> -> memref<1x79x128xi32, #tpu.memory_space<hbm>>
      %dma_start3A_33 = tpu.memref_squeeze %dma_start3A_32 : memref<1x79x128xi32, #tpu.memory_space<hbm>> -> memref<79x128xi32, #tpu.memory_space<hbm>>
      %dma_start3A_34 = arith.constant 0 : i32
      %dma_start3A_35 = arith.constant 0 : i32
      %dma_start3A_36 = tpu.memref_slice %arg4[%add3A, %dma_start3A_34, %dma_start3A_35] : memref<32x79x128xi32, #tpu.memory_space<hbm>> -> memref<1x79x128xi32, #tpu.memory_space<hbm>>
      %dma_start3A_37 = tpu.memref_squeeze %dma_start3A_36 : memref<1x79x128xi32, #tpu.memory_space<hbm>> -> memref<79x128xi32, #tpu.memory_space<hbm>>
      tpu.enqueue_dma source(%dma_start3A_37 : memref<79x128xi32, #tpu.memory_space<hbm>>) target(%arg8 : memref<79x128xi32, #tpu.memory_space<vmem>>) target_semaphore(%run_scoped3A : memref<!tpu.dma_semaphore, #tpu.memory_space<semaphore_mem>>)
      %dma_wait3A = arith.constant 0 : i32
      %dma_wait3A_38 = arith.constant 0 : i32
      %dma_wait3A_39 = tpu.memref_slice %arg4[%add3A, %dma_wait3A, %dma_wait3A_38] : memref<32x79x128xi32, #tpu.memory_space<hbm>> -> memref<1x79x128xi32, #tpu.memory_space<hbm>>
      %dma_wait3A_40 = tpu.memref_squeeze %dma_wait3A_39 : memref<1x79x128xi32, #tpu.memory_space<hbm>> -> memref<79x128xi32, #tpu.memory_space<hbm>>
      %dma_wait3A_41 = arith.constant 0 : i32
      %dma_wait3A_42 = arith.constant 0 : i32
      %dma_wait3A_43 = tpu.memref_slice %arg4[%add3A, %dma_wait3A_41, %dma_wait3A_42] : memref<32x79x128xi32, #tpu.memory_space<hbm>> -> memref<1x79x128xi32, #tpu.memory_space<hbm>>
      %dma_wait3A_44 = tpu.memref_squeeze %dma_wait3A_43 : memref<1x79x128xi32, #tpu.memory_space<hbm>> -> memref<79x128xi32, #tpu.memory_space<hbm>>
      tpu.wait_dma2 semaphore(%run_scoped3A : memref<!tpu.dma_semaphore, #tpu.memory_space<semaphore_mem>>) src(%dma_wait3A_44 : memref<79x128xi32, #tpu.memory_space<hbm>>) dst(%arg8 : memref<79x128xi32, #tpu.memory_space<vmem>>)
      tpu.yield
    }) : () -> ()
    %barrier3A = arith.constant 0 : index
    tpu.barrier barrier_id(%barrier3A)
    %scan3A = arith.constant 0 : i32
    %scan3A_21 = arith.constant 0 : i32
    %scan3A_22 = arith.constant 79 : i32
    %scan3A_23 = arith.addi %scan3A_21, %scan3A_22 : i32
    %scan3A_24 = arith.constant 1 : i32
    scf.for %scan3A_31 = %scan3A_21 to %scan3A_23 step %scan3A_24  : i32 {
      "tpu.region"() ({
        %run_scoped3A = tpu.sem_alloc : memref<!tpu.dma_semaphore, #tpu.memory_space<semaphore_mem>>
        %dma_start3A = arith.constant 0 : i32
        %dma_start3A_32 = tpu.memref_slice %arg7[%scan3A_31, %dma_start3A] : memref<79x128xi32, #tpu.memory_space<vmem>> -> memref<1x128xi32, #tpu.memory_space<vmem>>
        %dma_start3A_33 = tpu.memref_squeeze %dma_start3A_32 : memref<1x128xi32, #tpu.memory_space<vmem>> -> memref<128xi32, #tpu.memory_space<vmem>>
        %dma_start3A_34 = arith.constant 0 : i32
        %dma_start3A_35 = arith.constant 0 : i32
        %dma_start3A_36 = tpu.memref_slice %arg2[%dma_start3A_34, %dma_start3A_35] : memref<10016x128xf32, #tpu.memory_space<hbm>> -> memref<10016x128xf32, #tpu.memory_space<hbm>>
        tpu.enqueue_indirect_dma source(%dma_start3A_36 : memref<10016x128xf32, #tpu.memory_space<hbm>>) target(%arg9 : memref<128x128xf32, #tpu.memory_space<vmem>>) offsets(%dma_start3A_33 : memref<128xi32, #tpu.memory_space<vmem>>) semaphore(%run_scoped3A : memref<!tpu.dma_semaphore, #tpu.memory_space<semaphore_mem>>)
        %dma_wait3A = arith.constant 0 : i32
        %dma_wait3A_37 = tpu.memref_slice %arg7[%scan3A_31, %dma_wait3A] : memref<79x128xi32, #tpu.memory_space<vmem>> -> memref<1x128xi32, #tpu.memory_space<vmem>>
        %dma_wait3A_38 = tpu.memref_squeeze %dma_wait3A_37 : memref<1x128xi32, #tpu.memory_space<vmem>> -> memref<128xi32, #tpu.memory_space<vmem>>
        %dma_wait3A_39 = arith.constant 0 : i32
        %dma_wait3A_40 = arith.constant 0 : i32
        %dma_wait3A_41 = tpu.memref_slice %arg2[%dma_wait3A_39, %dma_wait3A_40] : memref<10016x128xf32, #tpu.memory_space<hbm>> -> memref<10016x128xf32, #tpu.memory_space<hbm>>
        tpu.wait_indirect_dma semaphore(%run_scoped3A : memref<!tpu.dma_semaphore, #tpu.memory_space<semaphore_mem>>) src(%dma_wait3A_41 : memref<10016x128xf32, #tpu.memory_space<hbm>>) dst(%arg9 : memref<128x128xf32, #tpu.memory_space<vmem>>)
        tpu.yield
      }) : () -> ()
      "tpu.region"() ({
        %run_scoped3A = tpu.sem_alloc : memref<!tpu.dma_semaphore, #tpu.memory_space<semaphore_mem>>
        %dma_start3A = arith.constant 0 : i32
        %dma_start3A_32 = tpu.memref_slice %arg8[%scan3A_31, %dma_start3A] : memref<79x128xi32, #tpu.memory_space<vmem>> -> memref<1x128xi32, #tpu.memory_space<vmem>>
        %dma_start3A_33 = tpu.memref_squeeze %dma_start3A_32 : memref<1x128xi32, #tpu.memory_space<vmem>> -> memref<128xi32, #tpu.memory_space<vmem>>
        %dma_start3A_34 = arith.constant 0 : i32
        %dma_start3A_35 = arith.constant 0 : i32
        %dma_start3A_36 = tpu.memref_slice %arg10[%dma_start3A_34, %dma_start3A_35] : memref<10240x128xf32, #tpu.memory_space<vmem_shared>> -> memref<10240x128xf32, #tpu.memory_space<vmem_shared>>
        tpu.enqueue_indirect_dma source(%arg9 : memref<128x128xf32, #tpu.memory_space<vmem>>) target(%dma_start3A_36 : memref<10240x128xf32, #tpu.memory_space<vmem_shared>>) offsets(%dma_start3A_33 : memref<128xi32, #tpu.memory_space<vmem>>) semaphore(%run_scoped3A : memref<!tpu.dma_semaphore, #tpu.memory_space<semaphore_mem>>) {add = true}
        %dma_wait3A = arith.constant 0 : i32
        %dma_wait3A_37 = tpu.memref_slice %arg8[%scan3A_31, %dma_wait3A] : memref<79x128xi32, #tpu.memory_space<vmem>> -> memref<1x128xi32, #tpu.memory_space<vmem>>
        %dma_wait3A_38 = tpu.memref_squeeze %dma_wait3A_37 : memref<1x128xi32, #tpu.memory_space<vmem>> -> memref<128xi32, #tpu.memory_space<vmem>>
        %dma_wait3A_39 = arith.constant 0 : i32
        %dma_wait3A_40 = arith.constant 0 : i32
        %dma_wait3A_41 = tpu.memref_slice %arg10[%dma_wait3A_39, %dma_wait3A_40] : memref<10240x128xf32, #tpu.memory_space<vmem_shared>> -> memref<10240x128xf32, #tpu.memory_space<vmem_shared>>
        tpu.wait_indirect_dma semaphore(%run_scoped3A : memref<!tpu.dma_semaphore, #tpu.memory_space<semaphore_mem>>) src(%arg9 : memref<128x128xf32, #tpu.memory_space<vmem>>) dst(%dma_wait3A_41 : memref<10240x128xf32, #tpu.memory_space<vmem_shared>>)
        tpu.yield
      }) : () -> ()
    }
    %scan3A_25 = arith.constant 79 : i32
    %barrier3A_26 = arith.constant 0 : index
    tpu.barrier barrier_id(%barrier3A_26)
    %mul3A_27 = arith.constant 640 : i32
    %mul3A_28 = arith.muli %arg1, %mul3A_27 : i32
    %mul3A_29 = arith.constant 640 : i32
    %mul3A_30 = arith.muli %arg1, %mul3A_29 : i32
    "tpu.region"() ({
      %run_scoped3A = tpu.sem_alloc : memref<!tpu.dma_semaphore, #tpu.memory_space<semaphore_mem>>
      %dma_start3A = arith.constant 0 : i32
      %dma_start3A_31 = tpu.memref_slice %arg6[%arg0, %mul3A_30, %dma_start3A] : memref<2x10240x128xf32, #tpu.memory_space<hbm>> -> memref<1x640x128xf32, #tpu.memory_space<hbm>>
      %dma_start3A_32 = tpu.memref_squeeze %dma_start3A_31 : memref<1x640x128xf32, #tpu.memory_space<hbm>> -> memref<640x128xf32, #tpu.memory_space<hbm>>
      %dma_start3A_33 = arith.constant 0 : i32
      %dma_start3A_34 = tpu.memref_slice %arg10[%mul3A_28, %dma_start3A_33] : memref<10240x128xf32, #tpu.memory_space<vmem_shared>> -> memref<640x128xf32, #tpu.memory_space<vmem_shared>>
      tpu.enqueue_dma source(%dma_start3A_34 : memref<640x128xf32, #tpu.memory_space<vmem_shared>>) target(%dma_start3A_32 : memref<640x128xf32, #tpu.memory_space<hbm>>) target_semaphore(%run_scoped3A : memref<!tpu.dma_semaphore, #tpu.memory_space<semaphore_mem>>)
      %dma_wait3A = arith.constant 0 : i32
      %dma_wait3A_35 = tpu.memref_slice %arg6[%arg0, %mul3A_30, %dma_wait3A] : memref<2x10240x128xf32, #tpu.memory_space<hbm>> -> memref<1x640x128xf32, #tpu.memory_space<hbm>>
      %dma_wait3A_36 = tpu.memref_squeeze %dma_wait3A_35 : memref<1x640x128xf32, #tpu.memory_space<hbm>> -> memref<640x128xf32, #tpu.memory_space<hbm>>
      %dma_wait3A_37 = arith.constant 0 : i32
      %dma_wait3A_38 = tpu.memref_slice %arg10[%mul3A_28, %dma_wait3A_37] : memref<10240x128xf32, #tpu.memory_space<vmem_shared>> -> memref<640x128xf32, #tpu.memory_space<vmem_shared>>
      tpu.wait_dma2 semaphore(%run_scoped3A : memref<!tpu.dma_semaphore, #tpu.memory_space<semaphore_mem>>) src(%dma_wait3A_38 : memref<640x128xf32, #tpu.memory_space<vmem_shared>>) dst(%dma_wait3A_36 : memref<640x128xf32, #tpu.memory_space<hbm>>)
      tpu.yield
    }) : () -> ()
    return
  }
}

#map = affine_map<(d0, d1) -> (0, 0)>
#map1 = affine_map<(d0, d1) -> (0, 0, 0)>
module attributes {stable_mosaic.version = 14 : i64} {
  func.func @_agg_body(%arg0: i32, %arg1: i32, %arg2: memref<10016x128xf32, #tpu.memory_space<hbm>>, %arg3: memref<32x79x128xi32, #tpu.memory_space<hbm>>, %arg4: memref<32x79x128xi32, #tpu.memory_space<hbm>>, %arg5: memref<128x128xf32, #tpu.memory_space<hbm>>, %arg6: memref<2x10240x128xf32, #tpu.memory_space<hbm>>, %arg7: memref<79x128xi32, #tpu.memory_space<vmem>>, %arg8: memref<79x128xi32, #tpu.memory_space<vmem>>, %arg9: memref<128x128xf32, #tpu.memory_space<vmem>>, %arg10: memref<10240x128xf32, #tpu.memory_space<vmem_shared>>) attributes {dimension_semantics = [#tpu.dimension_semantics<core_parallel>, #tpu.dimension_semantics<subcore_parallel>], iteration_bounds = array<i64: 2, 16>, scalar_prefetch = 0 : i64, scratch_operands = 4 : i64, tpu.core_type = #tpu.core_type<sc_vector_subcore>, window_params = [{transform_indices = #map}, {transform_indices = #map1}, {transform_indices = #map1}, {transform_indices = #map}, {transform_indices = #map1}]} {
    %mul3A = arith.constant 16 : i32
    %mul3A_0 = arith.muli %arg0, %mul3A : i32
    %add3A = arith.addi %mul3A_0, %arg1 : i32
    "tpu.region"() ({
      %run_scoped3A = tpu.sem_alloc : memref<!tpu.dma_semaphore, #tpu.memory_space<semaphore_mem>>
      tpu.enqueue_dma source(%arg5 : memref<128x128xf32, #tpu.memory_space<hbm>>) target(%arg9 : memref<128x128xf32, #tpu.memory_space<vmem>>) target_semaphore(%run_scoped3A : memref<!tpu.dma_semaphore, #tpu.memory_space<semaphore_mem>>)
      tpu.wait_dma2 semaphore(%run_scoped3A : memref<!tpu.dma_semaphore, #tpu.memory_space<semaphore_mem>>) src(%arg5 : memref<128x128xf32, #tpu.memory_space<hbm>>) dst(%arg9 : memref<128x128xf32, #tpu.memory_space<vmem>>)
      tpu.yield
    }) : () -> ()
    %mul3A_1 = arith.constant 640 : i32
    %mul3A_2 = arith.muli %arg1, %mul3A_1 : i32
    %add3A_3 = arith.constant 0 : i32
    %add3A_4 = arith.addi %mul3A_2, %add3A_3 : i32
    "tpu.region"() ({
      %run_scoped3A = tpu.sem_alloc : memref<!tpu.dma_semaphore, #tpu.memory_space<semaphore_mem>>
      %dma_start3A = arith.constant 0 : i32
      %dma_start3A_31 = tpu.memref_slice %arg10[%add3A_4, %dma_start3A] : memref<10240x128xf32, #tpu.memory_space<vmem_shared>> -> memref<128x128xf32, #tpu.memory_space<vmem_shared>>
      %dma_start3A_32 = arith.constant 0 : i32
      %dma_start3A_33 = tpu.memref_slice %arg10[%add3A_4, %dma_start3A_32] : memref<10240x128xf32, #tpu.memory_space<vmem_shared>> -> memref<128x128xf32, #tpu.memory_space<vmem_shared>>
      tpu.enqueue_dma source(%arg9 : memref<128x128xf32, #tpu.memory_space<vmem>>) target(%dma_start3A_33 : memref<128x128xf32, #tpu.memory_space<vmem_shared>>) target_semaphore(%run_scoped3A : memref<!tpu.dma_semaphore, #tpu.memory_space<semaphore_mem>>)
      %dma_wait3A = arith.constant 0 : i32
      %dma_wait3A_34 = tpu.memref_slice %arg10[%add3A_4, %dma_wait3A] : memref<10240x128xf32, #tpu.memory_space<vmem_shared>> -> memref<128x128xf32, #tpu.memory_space<vmem_shared>>
      %dma_wait3A_35 = arith.constant 0 : i32
      %dma_wait3A_36 = tpu.memref_slice %arg10[%add3A_4, %dma_wait3A_35] : memref<10240x128xf32, #tpu.memory_space<vmem_shared>> -> memref<128x128xf32, #tpu.memory_space<vmem_shared>>
      tpu.wait_dma2 semaphore(%run_scoped3A : memref<!tpu.dma_semaphore, #tpu.memory_space<semaphore_mem>>) src(%arg9 : memref<128x128xf32, #tpu.memory_space<vmem>>) dst(%dma_wait3A_36 : memref<128x128xf32, #tpu.memory_space<vmem_shared>>)
      tpu.yield
    }) : () -> ()
    %mul3A_5 = arith.constant 640 : i32
    %mul3A_6 = arith.muli %arg1, %mul3A_5 : i32
    %add3A_7 = arith.constant 128 : i32
    %add3A_8 = arith.addi %mul3A_6, %add3A_7 : i32
    "tpu.region"() ({
      %run_scoped3A = tpu.sem_alloc : memref<!tpu.dma_semaphore, #tpu.memory_space<semaphore_mem>>
      %dma_start3A = arith.constant 0 : i32
      %dma_start3A_31 = tpu.memref_slice %arg10[%add3A_8, %dma_start3A] : memref<10240x128xf32, #tpu.memory_space<vmem_shared>> -> memref<128x128xf32, #tpu.memory_space<vmem_shared>>
      %dma_start3A_32 = arith.constant 0 : i32
      %dma_start3A_33 = tpu.memref_slice %arg10[%add3A_8, %dma_start3A_32] : memref<10240x128xf32, #tpu.memory_space<vmem_shared>> -> memref<128x128xf32, #tpu.memory_space<vmem_shared>>
      tpu.enqueue_dma source(%arg9 : memref<128x128xf32, #tpu.memory_space<vmem>>) target(%dma_start3A_33 : memref<128x128xf32, #tpu.memory_space<vmem_shared>>) target_semaphore(%run_scoped3A : memref<!tpu.dma_semaphore, #tpu.memory_space<semaphore_mem>>)
      %dma_wait3A = arith.constant 0 : i32
      %dma_wait3A_34 = tpu.memref_slice %arg10[%add3A_8, %dma_wait3A] : memref<10240x128xf32, #tpu.memory_space<vmem_shared>> -> memref<128x128xf32, #tpu.memory_space<vmem_shared>>
      %dma_wait3A_35 = arith.constant 0 : i32
      %dma_wait3A_36 = tpu.memref_slice %arg10[%add3A_8, %dma_wait3A_35] : memref<10240x128xf32, #tpu.memory_space<vmem_shared>> -> memref<128x128xf32, #tpu.memory_space<vmem_shared>>
      tpu.wait_dma2 semaphore(%run_scoped3A : memref<!tpu.dma_semaphore, #tpu.memory_space<semaphore_mem>>) src(%arg9 : memref<128x128xf32, #tpu.memory_space<vmem>>) dst(%dma_wait3A_36 : memref<128x128xf32, #tpu.memory_space<vmem_shared>>)
      tpu.yield
    }) : () -> ()
    %mul3A_9 = arith.constant 640 : i32
    %mul3A_10 = arith.muli %arg1, %mul3A_9 : i32
    %add3A_11 = arith.constant 256 : i32
    %add3A_12 = arith.addi %mul3A_10, %add3A_11 : i32
    "tpu.region"() ({
      %run_scoped3A = tpu.sem_alloc : memref<!tpu.dma_semaphore, #tpu.memory_space<semaphore_mem>>
      %dma_start3A = arith.constant 0 : i32
      %dma_start3A_31 = tpu.memref_slice %arg10[%add3A_12, %dma_start3A] : memref<10240x128xf32, #tpu.memory_space<vmem_shared>> -> memref<128x128xf32, #tpu.memory_space<vmem_shared>>
      %dma_start3A_32 = arith.constant 0 : i32
      %dma_start3A_33 = tpu.memref_slice %arg10[%add3A_12, %dma_start3A_32] : memref<10240x128xf32, #tpu.memory_space<vmem_shared>> -> memref<128x128xf32, #tpu.memory_space<vmem_shared>>
      tpu.enqueue_dma source(%arg9 : memref<128x128xf32, #tpu.memory_space<vmem>>) target(%dma_start3A_33 : memref<128x128xf32, #tpu.memory_space<vmem_shared>>) target_semaphore(%run_scoped3A : memref<!tpu.dma_semaphore, #tpu.memory_space<semaphore_mem>>)
      %dma_wait3A = arith.constant 0 : i32
      %dma_wait3A_34 = tpu.memref_slice %arg10[%add3A_12, %dma_wait3A] : memref<10240x128xf32, #tpu.memory_space<vmem_shared>> -> memref<128x128xf32, #tpu.memory_space<vmem_shared>>
      %dma_wait3A_35 = arith.constant 0 : i32
      %dma_wait3A_36 = tpu.memref_slice %arg10[%add3A_12, %dma_wait3A_35] : memref<10240x128xf32, #tpu.memory_space<vmem_shared>> -> memref<128x128xf32, #tpu.memory_space<vmem_shared>>
      tpu.wait_dma2 semaphore(%run_scoped3A : memref<!tpu.dma_semaphore, #tpu.memory_space<semaphore_mem>>) src(%arg9 : memref<128x128xf32, #tpu.memory_space<vmem>>) dst(%dma_wait3A_36 : memref<128x128xf32, #tpu.memory_space<vmem_shared>>)
      tpu.yield
    }) : () -> ()
    %mul3A_13 = arith.constant 640 : i32
    %mul3A_14 = arith.muli %arg1, %mul3A_13 : i32
    %add3A_15 = arith.constant 384 : i32
    %add3A_16 = arith.addi %mul3A_14, %add3A_15 : i32
    "tpu.region"() ({
      %run_scoped3A = tpu.sem_alloc : memref<!tpu.dma_semaphore, #tpu.memory_space<semaphore_mem>>
      %dma_start3A = arith.constant 0 : i32
      %dma_start3A_31 = tpu.memref_slice %arg10[%add3A_16, %dma_start3A] : memref<10240x128xf32, #tpu.memory_space<vmem_shared>> -> memref<128x128xf32, #tpu.memory_space<vmem_shared>>
      %dma_start3A_32 = arith.constant 0 : i32
      %dma_start3A_33 = tpu.memref_slice %arg10[%add3A_16, %dma_start3A_32] : memref<10240x128xf32, #tpu.memory_space<vmem_shared>> -> memref<128x128xf32, #tpu.memory_space<vmem_shared>>
      tpu.enqueue_dma source(%arg9 : memref<128x128xf32, #tpu.memory_space<vmem>>) target(%dma_start3A_33 : memref<128x128xf32, #tpu.memory_space<vmem_shared>>) target_semaphore(%run_scoped3A : memref<!tpu.dma_semaphore, #tpu.memory_space<semaphore_mem>>)
      %dma_wait3A = arith.constant 0 : i32
      %dma_wait3A_34 = tpu.memref_slice %arg10[%add3A_16, %dma_wait3A] : memref<10240x128xf32, #tpu.memory_space<vmem_shared>> -> memref<128x128xf32, #tpu.memory_space<vmem_shared>>
      %dma_wait3A_35 = arith.constant 0 : i32
      %dma_wait3A_36 = tpu.memref_slice %arg10[%add3A_16, %dma_wait3A_35] : memref<10240x128xf32, #tpu.memory_space<vmem_shared>> -> memref<128x128xf32, #tpu.memory_space<vmem_shared>>
      tpu.wait_dma2 semaphore(%run_scoped3A : memref<!tpu.dma_semaphore, #tpu.memory_space<semaphore_mem>>) src(%arg9 : memref<128x128xf32, #tpu.memory_space<vmem>>) dst(%dma_wait3A_36 : memref<128x128xf32, #tpu.memory_space<vmem_shared>>)
      tpu.yield
    }) : () -> ()
    %mul3A_17 = arith.constant 640 : i32
    %mul3A_18 = arith.muli %arg1, %mul3A_17 : i32
    %add3A_19 = arith.constant 512 : i32
    %add3A_20 = arith.addi %mul3A_18, %add3A_19 : i32
    "tpu.region"() ({
      %run_scoped3A = tpu.sem_alloc : memref<!tpu.dma_semaphore, #tpu.memory_space<semaphore_mem>>
      %dma_start3A = arith.constant 0 : i32
      %dma_start3A_31 = tpu.memref_slice %arg10[%add3A_20, %dma_start3A] : memref<10240x128xf32, #tpu.memory_space<vmem_shared>> -> memref<128x128xf32, #tpu.memory_space<vmem_shared>>
      %dma_start3A_32 = arith.constant 0 : i32
      %dma_start3A_33 = tpu.memref_slice %arg10[%add3A_20, %dma_start3A_32] : memref<10240x128xf32, #tpu.memory_space<vmem_shared>> -> memref<128x128xf32, #tpu.memory_space<vmem_shared>>
      tpu.enqueue_dma source(%arg9 : memref<128x128xf32, #tpu.memory_space<vmem>>) target(%dma_start3A_33 : memref<128x128xf32, #tpu.memory_space<vmem_shared>>) target_semaphore(%run_scoped3A : memref<!tpu.dma_semaphore, #tpu.memory_space<semaphore_mem>>)
      %dma_wait3A = arith.constant 0 : i32
      %dma_wait3A_34 = tpu.memref_slice %arg10[%add3A_20, %dma_wait3A] : memref<10240x128xf32, #tpu.memory_space<vmem_shared>> -> memref<128x128xf32, #tpu.memory_space<vmem_shared>>
      %dma_wait3A_35 = arith.constant 0 : i32
      %dma_wait3A_36 = tpu.memref_slice %arg10[%add3A_20, %dma_wait3A_35] : memref<10240x128xf32, #tpu.memory_space<vmem_shared>> -> memref<128x128xf32, #tpu.memory_space<vmem_shared>>
      tpu.wait_dma2 semaphore(%run_scoped3A : memref<!tpu.dma_semaphore, #tpu.memory_space<semaphore_mem>>) src(%arg9 : memref<128x128xf32, #tpu.memory_space<vmem>>) dst(%dma_wait3A_36 : memref<128x128xf32, #tpu.memory_space<vmem_shared>>)
      tpu.yield
    }) : () -> ()
    "tpu.region"() ({
      %run_scoped3A = tpu.sem_alloc : memref<!tpu.dma_semaphore, #tpu.memory_space<semaphore_mem>>
      %dma_start3A = arith.constant 0 : i32
      %dma_start3A_31 = arith.constant 0 : i32
      %dma_start3A_32 = tpu.memref_slice %arg3[%add3A, %dma_start3A, %dma_start3A_31] : memref<32x79x128xi32, #tpu.memory_space<hbm>> -> memref<1x79x128xi32, #tpu.memory_space<hbm>>
      %dma_start3A_33 = tpu.memref_squeeze %dma_start3A_32 : memref<1x79x128xi32, #tpu.memory_space<hbm>> -> memref<79x128xi32, #tpu.memory_space<hbm>>
      %dma_start3A_34 = arith.constant 0 : i32
      %dma_start3A_35 = arith.constant 0 : i32
      %dma_start3A_36 = tpu.memref_slice %arg3[%add3A, %dma_start3A_34, %dma_start3A_35] : memref<32x79x128xi32, #tpu.memory_space<hbm>> -> memref<1x79x128xi32, #tpu.memory_space<hbm>>
      %dma_start3A_37 = tpu.memref_squeeze %dma_start3A_36 : memref<1x79x128xi32, #tpu.memory_space<hbm>> -> memref<79x128xi32, #tpu.memory_space<hbm>>
      tpu.enqueue_dma source(%dma_start3A_37 : memref<79x128xi32, #tpu.memory_space<hbm>>) target(%arg7 : memref<79x128xi32, #tpu.memory_space<vmem>>) target_semaphore(%run_scoped3A : memref<!tpu.dma_semaphore, #tpu.memory_space<semaphore_mem>>)
      %dma_wait3A = arith.constant 0 : i32
      %dma_wait3A_38 = arith.constant 0 : i32
      %dma_wait3A_39 = tpu.memref_slice %arg3[%add3A, %dma_wait3A, %dma_wait3A_38] : memref<32x79x128xi32, #tpu.memory_space<hbm>> -> memref<1x79x128xi32, #tpu.memory_space<hbm>>
      %dma_wait3A_40 = tpu.memref_squeeze %dma_wait3A_39 : memref<1x79x128xi32, #tpu.memory_space<hbm>> -> memref<79x128xi32, #tpu.memory_space<hbm>>
      %dma_wait3A_41 = arith.constant 0 : i32
      %dma_wait3A_42 = arith.constant 0 : i32
      %dma_wait3A_43 = tpu.memref_slice %arg3[%add3A, %dma_wait3A_41, %dma_wait3A_42] : memref<32x79x128xi32, #tpu.memory_space<hbm>> -> memref<1x79x128xi32, #tpu.memory_space<hbm>>
      %dma_wait3A_44 = tpu.memref_squeeze %dma_wait3A_43 : memref<1x79x128xi32, #tpu.memory_space<hbm>> -> memref<79x128xi32, #tpu.memory_space<hbm>>
      tpu.wait_dma2 semaphore(%run_scoped3A : memref<!tpu.dma_semaphore, #tpu.memory_space<semaphore_mem>>) src(%dma_wait3A_44 : memref<79x128xi32, #tpu.memory_space<hbm>>) dst(%arg7 : memref<79x128xi32, #tpu.memory_space<vmem>>)
      tpu.yield
    }) : () -> ()
    "tpu.region"() ({
      %run_scoped3A = tpu.sem_alloc : memref<!tpu.dma_semaphore, #tpu.memory_space<semaphore_mem>>
      %dma_start3A = arith.constant 0 : i32
      %dma_start3A_31 = arith.constant 0 : i32
      %dma_start3A_32 = tpu.memref_slice %arg4[%add3A, %dma_start3A, %dma_start3A_31] : memref<32x79x128xi32, #tpu.memory_space<hbm>> -> memref<1x79x128xi32, #tpu.memory_space<hbm>>
      %dma_start3A_33 = tpu.memref_squeeze %dma_start3A_32 : memref<1x79x128xi32, #tpu.memory_space<hbm>> -> memref<79x128xi32, #tpu.memory_space<hbm>>
      %dma_start3A_34 = arith.constant 0 : i32
      %dma_start3A_35 = arith.constant 0 : i32
      %dma_start3A_36 = tpu.memref_slice %arg4[%add3A, %dma_start3A_34, %dma_start3A_35] : memref<32x79x128xi32, #tpu.memory_space<hbm>> -> memref<1x79x128xi32, #tpu.memory_space<hbm>>
      %dma_start3A_37 = tpu.memref_squeeze %dma_start3A_36 : memref<1x79x128xi32, #tpu.memory_space<hbm>> -> memref<79x128xi32, #tpu.memory_space<hbm>>
      tpu.enqueue_dma source(%dma_start3A_37 : memref<79x128xi32, #tpu.memory_space<hbm>>) target(%arg8 : memref<79x128xi32, #tpu.memory_space<vmem>>) target_semaphore(%run_scoped3A : memref<!tpu.dma_semaphore, #tpu.memory_space<semaphore_mem>>)
      %dma_wait3A = arith.constant 0 : i32
      %dma_wait3A_38 = arith.constant 0 : i32
      %dma_wait3A_39 = tpu.memref_slice %arg4[%add3A, %dma_wait3A, %dma_wait3A_38] : memref<32x79x128xi32, #tpu.memory_space<hbm>> -> memref<1x79x128xi32, #tpu.memory_space<hbm>>
      %dma_wait3A_40 = tpu.memref_squeeze %dma_wait3A_39 : memref<1x79x128xi32, #tpu.memory_space<hbm>> -> memref<79x128xi32, #tpu.memory_space<hbm>>
      %dma_wait3A_41 = arith.constant 0 : i32
      %dma_wait3A_42 = arith.constant 0 : i32
      %dma_wait3A_43 = tpu.memref_slice %arg4[%add3A, %dma_wait3A_41, %dma_wait3A_42] : memref<32x79x128xi32, #tpu.memory_space<hbm>> -> memref<1x79x128xi32, #tpu.memory_space<hbm>>
      %dma_wait3A_44 = tpu.memref_squeeze %dma_wait3A_43 : memref<1x79x128xi32, #tpu.memory_space<hbm>> -> memref<79x128xi32, #tpu.memory_space<hbm>>
      tpu.wait_dma2 semaphore(%run_scoped3A : memref<!tpu.dma_semaphore, #tpu.memory_space<semaphore_mem>>) src(%dma_wait3A_44 : memref<79x128xi32, #tpu.memory_space<hbm>>) dst(%arg8 : memref<79x128xi32, #tpu.memory_space<vmem>>)
      tpu.yield
    }) : () -> ()
    %barrier3A = arith.constant 0 : index
    tpu.barrier barrier_id(%barrier3A)
    %scan3A = arith.constant 0 : i32
    %scan3A_21 = arith.constant 0 : i32
    %scan3A_22 = arith.constant 79 : i32
    %scan3A_23 = arith.addi %scan3A_21, %scan3A_22 : i32
    %scan3A_24 = arith.constant 1 : i32
    scf.for %scan3A_31 = %scan3A_21 to %scan3A_23 step %scan3A_24  : i32 {
      "tpu.region"() ({
        %run_scoped3A = tpu.sem_alloc : memref<!tpu.dma_semaphore, #tpu.memory_space<semaphore_mem>>
        %dma_start3A = arith.constant 0 : i32
        %dma_start3A_32 = tpu.memref_slice %arg7[%scan3A_31, %dma_start3A] : memref<79x128xi32, #tpu.memory_space<vmem>> -> memref<1x128xi32, #tpu.memory_space<vmem>>
        %dma_start3A_33 = tpu.memref_squeeze %dma_start3A_32 : memref<1x128xi32, #tpu.memory_space<vmem>> -> memref<128xi32, #tpu.memory_space<vmem>>
        %dma_start3A_34 = arith.constant 0 : i32
        %dma_start3A_35 = arith.constant 0 : i32
        %dma_start3A_36 = tpu.memref_slice %arg2[%dma_start3A_34, %dma_start3A_35] : memref<10016x128xf32, #tpu.memory_space<hbm>> -> memref<10016x128xf32, #tpu.memory_space<hbm>>
        tpu.enqueue_indirect_dma source(%dma_start3A_36 : memref<10016x128xf32, #tpu.memory_space<hbm>>) target(%arg9 : memref<128x128xf32, #tpu.memory_space<vmem>>) offsets(%dma_start3A_33 : memref<128xi32, #tpu.memory_space<vmem>>) semaphore(%run_scoped3A : memref<!tpu.dma_semaphore, #tpu.memory_space<semaphore_mem>>)
        %dma_wait3A = arith.constant 0 : i32
        %dma_wait3A_37 = tpu.memref_slice %arg7[%scan3A_31, %dma_wait3A] : memref<79x128xi32, #tpu.memory_space<vmem>> -> memref<1x128xi32, #tpu.memory_space<vmem>>
        %dma_wait3A_38 = tpu.memref_squeeze %dma_wait3A_37 : memref<1x128xi32, #tpu.memory_space<vmem>> -> memref<128xi32, #tpu.memory_space<vmem>>
        %dma_wait3A_39 = arith.constant 0 : i32
        %dma_wait3A_40 = arith.constant 0 : i32
        %dma_wait3A_41 = tpu.memref_slice %arg2[%dma_wait3A_39, %dma_wait3A_40] : memref<10016x128xf32, #tpu.memory_space<hbm>> -> memref<10016x128xf32, #tpu.memory_space<hbm>>
        tpu.wait_indirect_dma semaphore(%run_scoped3A : memref<!tpu.dma_semaphore, #tpu.memory_space<semaphore_mem>>) src(%dma_wait3A_41 : memref<10016x128xf32, #tpu.memory_space<hbm>>) dst(%arg9 : memref<128x128xf32, #tpu.memory_space<vmem>>)
        tpu.yield
      }) : () -> ()
      "tpu.region"() ({
        %run_scoped3A = tpu.sem_alloc : memref<!tpu.dma_semaphore, #tpu.memory_space<semaphore_mem>>
        %dma_start3A = arith.constant 0 : i32
        %dma_start3A_32 = tpu.memref_slice %arg8[%scan3A_31, %dma_start3A] : memref<79x128xi32, #tpu.memory_space<vmem>> -> memref<1x128xi32, #tpu.memory_space<vmem>>
        %dma_start3A_33 = tpu.memref_squeeze %dma_start3A_32 : memref<1x128xi32, #tpu.memory_space<vmem>> -> memref<128xi32, #tpu.memory_space<vmem>>
        %dma_start3A_34 = arith.constant 0 : i32
        %dma_start3A_35 = arith.constant 0 : i32
        %dma_start3A_36 = tpu.memref_slice %arg10[%dma_start3A_34, %dma_start3A_35] : memref<10240x128xf32, #tpu.memory_space<vmem_shared>> -> memref<10240x128xf32, #tpu.memory_space<vmem_shared>>
        tpu.enqueue_indirect_dma source(%arg9 : memref<128x128xf32, #tpu.memory_space<vmem>>) target(%dma_start3A_36 : memref<10240x128xf32, #tpu.memory_space<vmem_shared>>) offsets(%dma_start3A_33 : memref<128xi32, #tpu.memory_space<vmem>>) semaphore(%run_scoped3A : memref<!tpu.dma_semaphore, #tpu.memory_space<semaphore_mem>>) {add = true}
        %dma_wait3A = arith.constant 0 : i32
        %dma_wait3A_37 = tpu.memref_slice %arg8[%scan3A_31, %dma_wait3A] : memref<79x128xi32, #tpu.memory_space<vmem>> -> memref<1x128xi32, #tpu.memory_space<vmem>>
        %dma_wait3A_38 = tpu.memref_squeeze %dma_wait3A_37 : memref<1x128xi32, #tpu.memory_space<vmem>> -> memref<128xi32, #tpu.memory_space<vmem>>
        %dma_wait3A_39 = arith.constant 0 : i32
        %dma_wait3A_40 = arith.constant 0 : i32
        %dma_wait3A_41 = tpu.memref_slice %arg10[%dma_wait3A_39, %dma_wait3A_40] : memref<10240x128xf32, #tpu.memory_space<vmem_shared>> -> memref<10240x128xf32, #tpu.memory_space<vmem_shared>>
        tpu.wait_indirect_dma semaphore(%run_scoped3A : memref<!tpu.dma_semaphore, #tpu.memory_space<semaphore_mem>>) src(%arg9 : memref<128x128xf32, #tpu.memory_space<vmem>>) dst(%dma_wait3A_41 : memref<10240x128xf32, #tpu.memory_space<vmem_shared>>)
        tpu.yield
      }) : () -> ()
    }
    %scan3A_25 = arith.constant 79 : i32
    %barrier3A_26 = arith.constant 0 : index
    tpu.barrier barrier_id(%barrier3A_26)
    %mul3A_27 = arith.constant 640 : i32
    %mul3A_28 = arith.muli %arg1, %mul3A_27 : i32
    %mul3A_29 = arith.constant 640 : i32
    %mul3A_30 = arith.muli %arg1, %mul3A_29 : i32
    "tpu.region"() ({
      %run_scoped3A = tpu.sem_alloc : memref<!tpu.dma_semaphore, #tpu.memory_space<semaphore_mem>>
      %dma_start3A = arith.constant 0 : i32
      %dma_start3A_31 = tpu.memref_slice %arg6[%arg0, %mul3A_30, %dma_start3A] : memref<2x10240x128xf32, #tpu.memory_space<hbm>> -> memref<1x640x128xf32, #tpu.memory_space<hbm>>
      %dma_start3A_32 = tpu.memref_squeeze %dma_start3A_31 : memref<1x640x128xf32, #tpu.memory_space<hbm>> -> memref<640x128xf32, #tpu.memory_space<hbm>>
      %dma_start3A_33 = arith.constant 0 : i32
      %dma_start3A_34 = tpu.memref_slice %arg10[%mul3A_28, %dma_start3A_33] : memref<10240x128xf32, #tpu.memory_space<vmem_shared>> -> memref<640x128xf32, #tpu.memory_space<vmem_shared>>
      tpu.enqueue_dma source(%dma_start3A_34 : memref<640x128xf32, #tpu.memory_space<vmem_shared>>) target(%dma_start3A_32 : memref<640x128xf32, #tpu.memory_space<hbm>>) target_semaphore(%run_scoped3A : memref<!tpu.dma_semaphore, #tpu.memory_space<semaphore_mem>>)
      %dma_wait3A = arith.constant 0 : i32
      %dma_wait3A_35 = tpu.memref_slice %arg6[%arg0, %mul3A_30, %dma_wait3A] : memref<2x10240x128xf32, #tpu.memory_space<hbm>> -> memref<1x640x128xf32, #tpu.memory_space<hbm>>
      %dma_wait3A_36 = tpu.memref_squeeze %dma_wait3A_35 : memref<1x640x128xf32, #tpu.memory_space<hbm>> -> memref<640x128xf32, #tpu.memory_space<hbm>>
      %dma_wait3A_37 = arith.constant 0 : i32
      %dma_wait3A_38 = tpu.memref_slice %arg10[%mul3A_28, %dma_wait3A_37] : memref<10240x128xf32, #tpu.memory_space<vmem_shared>> -> memref<640x128xf32, #tpu.memory_space<vmem_shared>>
      tpu.wait_dma2 semaphore(%run_scoped3A : memref<!tpu.dma_semaphore, #tpu.memory_space<semaphore_mem>>) src(%dma_wait3A_38 : memref<640x128xf32, #tpu.memory_space<vmem_shared>>) dst(%dma_wait3A_36 : memref<640x128xf32, #tpu.memory_space<hbm>>)
      tpu.yield
    }) : () -> ()
    return
  }
}

#map = affine_map<(d0, d1) -> (0, 0)>
#map1 = affine_map<(d0, d1) -> (0, 0, 0)>
module attributes {stable_mosaic.version = 14 : i64} {
  func.func @_agg_body(%arg0: i32, %arg1: i32, %arg2: memref<10016x128xf32, #tpu.memory_space<hbm>>, %arg3: memref<32x79x128xi32, #tpu.memory_space<hbm>>, %arg4: memref<32x79x128xi32, #tpu.memory_space<hbm>>, %arg5: memref<128x128xf32, #tpu.memory_space<hbm>>, %arg6: memref<2x10240x128xf32, #tpu.memory_space<hbm>>, %arg7: memref<79x128xi32, #tpu.memory_space<vmem>>, %arg8: memref<79x128xi32, #tpu.memory_space<vmem>>, %arg9: memref<128x128xf32, #tpu.memory_space<vmem>>, %arg10: memref<10240x128xf32, #tpu.memory_space<vmem_shared>>) attributes {dimension_semantics = [#tpu.dimension_semantics<core_parallel>, #tpu.dimension_semantics<subcore_parallel>], iteration_bounds = array<i64: 2, 16>, scalar_prefetch = 0 : i64, scratch_operands = 4 : i64, tpu.core_type = #tpu.core_type<sc_vector_subcore>, window_params = [{transform_indices = #map}, {transform_indices = #map1}, {transform_indices = #map1}, {transform_indices = #map}, {transform_indices = #map1}]} {
    %mul3A = arith.constant 16 : i32
    %mul3A_0 = arith.muli %arg0, %mul3A : i32
    %add3A = arith.addi %mul3A_0, %arg1 : i32
    "tpu.region"() ({
      %run_scoped3A = tpu.sem_alloc : memref<!tpu.dma_semaphore, #tpu.memory_space<semaphore_mem>>
      tpu.enqueue_dma source(%arg5 : memref<128x128xf32, #tpu.memory_space<hbm>>) target(%arg9 : memref<128x128xf32, #tpu.memory_space<vmem>>) target_semaphore(%run_scoped3A : memref<!tpu.dma_semaphore, #tpu.memory_space<semaphore_mem>>)
      tpu.wait_dma2 semaphore(%run_scoped3A : memref<!tpu.dma_semaphore, #tpu.memory_space<semaphore_mem>>) src(%arg5 : memref<128x128xf32, #tpu.memory_space<hbm>>) dst(%arg9 : memref<128x128xf32, #tpu.memory_space<vmem>>)
      tpu.yield
    }) : () -> ()
    %mul3A_1 = arith.constant 640 : i32
    %mul3A_2 = arith.muli %arg1, %mul3A_1 : i32
    %add3A_3 = arith.constant 0 : i32
    %add3A_4 = arith.addi %mul3A_2, %add3A_3 : i32
    "tpu.region"() ({
      %run_scoped3A = tpu.sem_alloc : memref<!tpu.dma_semaphore, #tpu.memory_space<semaphore_mem>>
      %dma_start3A = arith.constant 0 : i32
      %dma_start3A_31 = tpu.memref_slice %arg10[%add3A_4, %dma_start3A] : memref<10240x128xf32, #tpu.memory_space<vmem_shared>> -> memref<128x128xf32, #tpu.memory_space<vmem_shared>>
      %dma_start3A_32 = arith.constant 0 : i32
      %dma_start3A_33 = tpu.memref_slice %arg10[%add3A_4, %dma_start3A_32] : memref<10240x128xf32, #tpu.memory_space<vmem_shared>> -> memref<128x128xf32, #tpu.memory_space<vmem_shared>>
      tpu.enqueue_dma source(%arg9 : memref<128x128xf32, #tpu.memory_space<vmem>>) target(%dma_start3A_33 : memref<128x128xf32, #tpu.memory_space<vmem_shared>>) target_semaphore(%run_scoped3A : memref<!tpu.dma_semaphore, #tpu.memory_space<semaphore_mem>>)
      %dma_wait3A = arith.constant 0 : i32
      %dma_wait3A_34 = tpu.memref_slice %arg10[%add3A_4, %dma_wait3A] : memref<10240x128xf32, #tpu.memory_space<vmem_shared>> -> memref<128x128xf32, #tpu.memory_space<vmem_shared>>
      %dma_wait3A_35 = arith.constant 0 : i32
      %dma_wait3A_36 = tpu.memref_slice %arg10[%add3A_4, %dma_wait3A_35] : memref<10240x128xf32, #tpu.memory_space<vmem_shared>> -> memref<128x128xf32, #tpu.memory_space<vmem_shared>>
      tpu.wait_dma2 semaphore(%run_scoped3A : memref<!tpu.dma_semaphore, #tpu.memory_space<semaphore_mem>>) src(%arg9 : memref<128x128xf32, #tpu.memory_space<vmem>>) dst(%dma_wait3A_36 : memref<128x128xf32, #tpu.memory_space<vmem_shared>>)
      tpu.yield
    }) : () -> ()
    %mul3A_5 = arith.constant 640 : i32
    %mul3A_6 = arith.muli %arg1, %mul3A_5 : i32
    %add3A_7 = arith.constant 128 : i32
    %add3A_8 = arith.addi %mul3A_6, %add3A_7 : i32
    "tpu.region"() ({
      %run_scoped3A = tpu.sem_alloc : memref<!tpu.dma_semaphore, #tpu.memory_space<semaphore_mem>>
      %dma_start3A = arith.constant 0 : i32
      %dma_start3A_31 = tpu.memref_slice %arg10[%add3A_8, %dma_start3A] : memref<10240x128xf32, #tpu.memory_space<vmem_shared>> -> memref<128x128xf32, #tpu.memory_space<vmem_shared>>
      %dma_start3A_32 = arith.constant 0 : i32
      %dma_start3A_33 = tpu.memref_slice %arg10[%add3A_8, %dma_start3A_32] : memref<10240x128xf32, #tpu.memory_space<vmem_shared>> -> memref<128x128xf32, #tpu.memory_space<vmem_shared>>
      tpu.enqueue_dma source(%arg9 : memref<128x128xf32, #tpu.memory_space<vmem>>) target(%dma_start3A_33 : memref<128x128xf32, #tpu.memory_space<vmem_shared>>) target_semaphore(%run_scoped3A : memref<!tpu.dma_semaphore, #tpu.memory_space<semaphore_mem>>)
      %dma_wait3A = arith.constant 0 : i32
      %dma_wait3A_34 = tpu.memref_slice %arg10[%add3A_8, %dma_wait3A] : memref<10240x128xf32, #tpu.memory_space<vmem_shared>> -> memref<128x128xf32, #tpu.memory_space<vmem_shared>>
      %dma_wait3A_35 = arith.constant 0 : i32
      %dma_wait3A_36 = tpu.memref_slice %arg10[%add3A_8, %dma_wait3A_35] : memref<10240x128xf32, #tpu.memory_space<vmem_shared>> -> memref<128x128xf32, #tpu.memory_space<vmem_shared>>
      tpu.wait_dma2 semaphore(%run_scoped3A : memref<!tpu.dma_semaphore, #tpu.memory_space<semaphore_mem>>) src(%arg9 : memref<128x128xf32, #tpu.memory_space<vmem>>) dst(%dma_wait3A_36 : memref<128x128xf32, #tpu.memory_space<vmem_shared>>)
      tpu.yield
    }) : () -> ()
    %mul3A_9 = arith.constant 640 : i32
    %mul3A_10 = arith.muli %arg1, %mul3A_9 : i32
    %add3A_11 = arith.constant 256 : i32
    %add3A_12 = arith.addi %mul3A_10, %add3A_11 : i32
    "tpu.region"() ({
      %run_scoped3A = tpu.sem_alloc : memref<!tpu.dma_semaphore, #tpu.memory_space<semaphore_mem>>
      %dma_start3A = arith.constant 0 : i32
      %dma_start3A_31 = tpu.memref_slice %arg10[%add3A_12, %dma_start3A] : memref<10240x128xf32, #tpu.memory_space<vmem_shared>> -> memref<128x128xf32, #tpu.memory_space<vmem_shared>>
      %dma_start3A_32 = arith.constant 0 : i32
      %dma_start3A_33 = tpu.memref_slice %arg10[%add3A_12, %dma_start3A_32] : memref<10240x128xf32, #tpu.memory_space<vmem_shared>> -> memref<128x128xf32, #tpu.memory_space<vmem_shared>>
      tpu.enqueue_dma source(%arg9 : memref<128x128xf32, #tpu.memory_space<vmem>>) target(%dma_start3A_33 : memref<128x128xf32, #tpu.memory_space<vmem_shared>>) target_semaphore(%run_scoped3A : memref<!tpu.dma_semaphore, #tpu.memory_space<semaphore_mem>>)
      %dma_wait3A = arith.constant 0 : i32
      %dma_wait3A_34 = tpu.memref_slice %arg10[%add3A_12, %dma_wait3A] : memref<10240x128xf32, #tpu.memory_space<vmem_shared>> -> memref<128x128xf32, #tpu.memory_space<vmem_shared>>
      %dma_wait3A_35 = arith.constant 0 : i32
      %dma_wait3A_36 = tpu.memref_slice %arg10[%add3A_12, %dma_wait3A_35] : memref<10240x128xf32, #tpu.memory_space<vmem_shared>> -> memref<128x128xf32, #tpu.memory_space<vmem_shared>>
      tpu.wait_dma2 semaphore(%run_scoped3A : memref<!tpu.dma_semaphore, #tpu.memory_space<semaphore_mem>>) src(%arg9 : memref<128x128xf32, #tpu.memory_space<vmem>>) dst(%dma_wait3A_36 : memref<128x128xf32, #tpu.memory_space<vmem_shared>>)
      tpu.yield
    }) : () -> ()
    %mul3A_13 = arith.constant 640 : i32
    %mul3A_14 = arith.muli %arg1, %mul3A_13 : i32
    %add3A_15 = arith.constant 384 : i32
    %add3A_16 = arith.addi %mul3A_14, %add3A_15 : i32
    "tpu.region"() ({
      %run_scoped3A = tpu.sem_alloc : memref<!tpu.dma_semaphore, #tpu.memory_space<semaphore_mem>>
      %dma_start3A = arith.constant 0 : i32
      %dma_start3A_31 = tpu.memref_slice %arg10[%add3A_16, %dma_start3A] : memref<10240x128xf32, #tpu.memory_space<vmem_shared>> -> memref<128x128xf32, #tpu.memory_space<vmem_shared>>
      %dma_start3A_32 = arith.constant 0 : i32
      %dma_start3A_33 = tpu.memref_slice %arg10[%add3A_16, %dma_start3A_32] : memref<10240x128xf32, #tpu.memory_space<vmem_shared>> -> memref<128x128xf32, #tpu.memory_space<vmem_shared>>
      tpu.enqueue_dma source(%arg9 : memref<128x128xf32, #tpu.memory_space<vmem>>) target(%dma_start3A_33 : memref<128x128xf32, #tpu.memory_space<vmem_shared>>) target_semaphore(%run_scoped3A : memref<!tpu.dma_semaphore, #tpu.memory_space<semaphore_mem>>)
      %dma_wait3A = arith.constant 0 : i32
      %dma_wait3A_34 = tpu.memref_slice %arg10[%add3A_16, %dma_wait3A] : memref<10240x128xf32, #tpu.memory_space<vmem_shared>> -> memref<128x128xf32, #tpu.memory_space<vmem_shared>>
      %dma_wait3A_35 = arith.constant 0 : i32
      %dma_wait3A_36 = tpu.memref_slice %arg10[%add3A_16, %dma_wait3A_35] : memref<10240x128xf32, #tpu.memory_space<vmem_shared>> -> memref<128x128xf32, #tpu.memory_space<vmem_shared>>
      tpu.wait_dma2 semaphore(%run_scoped3A : memref<!tpu.dma_semaphore, #tpu.memory_space<semaphore_mem>>) src(%arg9 : memref<128x128xf32, #tpu.memory_space<vmem>>) dst(%dma_wait3A_36 : memref<128x128xf32, #tpu.memory_space<vmem_shared>>)
      tpu.yield
    }) : () -> ()
    %mul3A_17 = arith.constant 640 : i32
    %mul3A_18 = arith.muli %arg1, %mul3A_17 : i32
    %add3A_19 = arith.constant 512 : i32
    %add3A_20 = arith.addi %mul3A_18, %add3A_19 : i32
    "tpu.region"() ({
      %run_scoped3A = tpu.sem_alloc : memref<!tpu.dma_semaphore, #tpu.memory_space<semaphore_mem>>
      %dma_start3A = arith.constant 0 : i32
      %dma_start3A_31 = tpu.memref_slice %arg10[%add3A_20, %dma_start3A] : memref<10240x128xf32, #tpu.memory_space<vmem_shared>> -> memref<128x128xf32, #tpu.memory_space<vmem_shared>>
      %dma_start3A_32 = arith.constant 0 : i32
      %dma_start3A_33 = tpu.memref_slice %arg10[%add3A_20, %dma_start3A_32] : memref<10240x128xf32, #tpu.memory_space<vmem_shared>> -> memref<128x128xf32, #tpu.memory_space<vmem_shared>>
      tpu.enqueue_dma source(%arg9 : memref<128x128xf32, #tpu.memory_space<vmem>>) target(%dma_start3A_33 : memref<128x128xf32, #tpu.memory_space<vmem_shared>>) target_semaphore(%run_scoped3A : memref<!tpu.dma_semaphore, #tpu.memory_space<semaphore_mem>>)
      %dma_wait3A = arith.constant 0 : i32
      %dma_wait3A_34 = tpu.memref_slice %arg10[%add3A_20, %dma_wait3A] : memref<10240x128xf32, #tpu.memory_space<vmem_shared>> -> memref<128x128xf32, #tpu.memory_space<vmem_shared>>
      %dma_wait3A_35 = arith.constant 0 : i32
      %dma_wait3A_36 = tpu.memref_slice %arg10[%add3A_20, %dma_wait3A_35] : memref<10240x128xf32, #tpu.memory_space<vmem_shared>> -> memref<128x128xf32, #tpu.memory_space<vmem_shared>>
      tpu.wait_dma2 semaphore(%run_scoped3A : memref<!tpu.dma_semaphore, #tpu.memory_space<semaphore_mem>>) src(%arg9 : memref<128x128xf32, #tpu.memory_space<vmem>>) dst(%dma_wait3A_36 : memref<128x128xf32, #tpu.memory_space<vmem_shared>>)
      tpu.yield
    }) : () -> ()
    "tpu.region"() ({
      %run_scoped3A = tpu.sem_alloc : memref<!tpu.dma_semaphore, #tpu.memory_space<semaphore_mem>>
      %dma_start3A = arith.constant 0 : i32
      %dma_start3A_31 = arith.constant 0 : i32
      %dma_start3A_32 = tpu.memref_slice %arg3[%add3A, %dma_start3A, %dma_start3A_31] : memref<32x79x128xi32, #tpu.memory_space<hbm>> -> memref<1x79x128xi32, #tpu.memory_space<hbm>>
      %dma_start3A_33 = tpu.memref_squeeze %dma_start3A_32 : memref<1x79x128xi32, #tpu.memory_space<hbm>> -> memref<79x128xi32, #tpu.memory_space<hbm>>
      %dma_start3A_34 = arith.constant 0 : i32
      %dma_start3A_35 = arith.constant 0 : i32
      %dma_start3A_36 = tpu.memref_slice %arg3[%add3A, %dma_start3A_34, %dma_start3A_35] : memref<32x79x128xi32, #tpu.memory_space<hbm>> -> memref<1x79x128xi32, #tpu.memory_space<hbm>>
      %dma_start3A_37 = tpu.memref_squeeze %dma_start3A_36 : memref<1x79x128xi32, #tpu.memory_space<hbm>> -> memref<79x128xi32, #tpu.memory_space<hbm>>
      tpu.enqueue_dma source(%dma_start3A_37 : memref<79x128xi32, #tpu.memory_space<hbm>>) target(%arg7 : memref<79x128xi32, #tpu.memory_space<vmem>>) target_semaphore(%run_scoped3A : memref<!tpu.dma_semaphore, #tpu.memory_space<semaphore_mem>>)
      %dma_wait3A = arith.constant 0 : i32
      %dma_wait3A_38 = arith.constant 0 : i32
      %dma_wait3A_39 = tpu.memref_slice %arg3[%add3A, %dma_wait3A, %dma_wait3A_38] : memref<32x79x128xi32, #tpu.memory_space<hbm>> -> memref<1x79x128xi32, #tpu.memory_space<hbm>>
      %dma_wait3A_40 = tpu.memref_squeeze %dma_wait3A_39 : memref<1x79x128xi32, #tpu.memory_space<hbm>> -> memref<79x128xi32, #tpu.memory_space<hbm>>
      %dma_wait3A_41 = arith.constant 0 : i32
      %dma_wait3A_42 = arith.constant 0 : i32
      %dma_wait3A_43 = tpu.memref_slice %arg3[%add3A, %dma_wait3A_41, %dma_wait3A_42] : memref<32x79x128xi32, #tpu.memory_space<hbm>> -> memref<1x79x128xi32, #tpu.memory_space<hbm>>
      %dma_wait3A_44 = tpu.memref_squeeze %dma_wait3A_43 : memref<1x79x128xi32, #tpu.memory_space<hbm>> -> memref<79x128xi32, #tpu.memory_space<hbm>>
      tpu.wait_dma2 semaphore(%run_scoped3A : memref<!tpu.dma_semaphore, #tpu.memory_space<semaphore_mem>>) src(%dma_wait3A_44 : memref<79x128xi32, #tpu.memory_space<hbm>>) dst(%arg7 : memref<79x128xi32, #tpu.memory_space<vmem>>)
      tpu.yield
    }) : () -> ()
    "tpu.region"() ({
      %run_scoped3A = tpu.sem_alloc : memref<!tpu.dma_semaphore, #tpu.memory_space<semaphore_mem>>
      %dma_start3A = arith.constant 0 : i32
      %dma_start3A_31 = arith.constant 0 : i32
      %dma_start3A_32 = tpu.memref_slice %arg4[%add3A, %dma_start3A, %dma_start3A_31] : memref<32x79x128xi32, #tpu.memory_space<hbm>> -> memref<1x79x128xi32, #tpu.memory_space<hbm>>
      %dma_start3A_33 = tpu.memref_squeeze %dma_start3A_32 : memref<1x79x128xi32, #tpu.memory_space<hbm>> -> memref<79x128xi32, #tpu.memory_space<hbm>>
      %dma_start3A_34 = arith.constant 0 : i32
      %dma_start3A_35 = arith.constant 0 : i32
      %dma_start3A_36 = tpu.memref_slice %arg4[%add3A, %dma_start3A_34, %dma_start3A_35] : memref<32x79x128xi32, #tpu.memory_space<hbm>> -> memref<1x79x128xi32, #tpu.memory_space<hbm>>
      %dma_start3A_37 = tpu.memref_squeeze %dma_start3A_36 : memref<1x79x128xi32, #tpu.memory_space<hbm>> -> memref<79x128xi32, #tpu.memory_space<hbm>>
      tpu.enqueue_dma source(%dma_start3A_37 : memref<79x128xi32, #tpu.memory_space<hbm>>) target(%arg8 : memref<79x128xi32, #tpu.memory_space<vmem>>) target_semaphore(%run_scoped3A : memref<!tpu.dma_semaphore, #tpu.memory_space<semaphore_mem>>)
      %dma_wait3A = arith.constant 0 : i32
      %dma_wait3A_38 = arith.constant 0 : i32
      %dma_wait3A_39 = tpu.memref_slice %arg4[%add3A, %dma_wait3A, %dma_wait3A_38] : memref<32x79x128xi32, #tpu.memory_space<hbm>> -> memref<1x79x128xi32, #tpu.memory_space<hbm>>
      %dma_wait3A_40 = tpu.memref_squeeze %dma_wait3A_39 : memref<1x79x128xi32, #tpu.memory_space<hbm>> -> memref<79x128xi32, #tpu.memory_space<hbm>>
      %dma_wait3A_41 = arith.constant 0 : i32
      %dma_wait3A_42 = arith.constant 0 : i32
      %dma_wait3A_43 = tpu.memref_slice %arg4[%add3A, %dma_wait3A_41, %dma_wait3A_42] : memref<32x79x128xi32, #tpu.memory_space<hbm>> -> memref<1x79x128xi32, #tpu.memory_space<hbm>>
      %dma_wait3A_44 = tpu.memref_squeeze %dma_wait3A_43 : memref<1x79x128xi32, #tpu.memory_space<hbm>> -> memref<79x128xi32, #tpu.memory_space<hbm>>
      tpu.wait_dma2 semaphore(%run_scoped3A : memref<!tpu.dma_semaphore, #tpu.memory_space<semaphore_mem>>) src(%dma_wait3A_44 : memref<79x128xi32, #tpu.memory_space<hbm>>) dst(%arg8 : memref<79x128xi32, #tpu.memory_space<vmem>>)
      tpu.yield
    }) : () -> ()
    %barrier3A = arith.constant 0 : index
    tpu.barrier barrier_id(%barrier3A)
    %scan3A = arith.constant 0 : i32
    %scan3A_21 = arith.constant 0 : i32
    %scan3A_22 = arith.constant 79 : i32
    %scan3A_23 = arith.addi %scan3A_21, %scan3A_22 : i32
    %scan3A_24 = arith.constant 1 : i32
    scf.for %scan3A_31 = %scan3A_21 to %scan3A_23 step %scan3A_24  : i32 {
      "tpu.region"() ({
        %run_scoped3A = tpu.sem_alloc : memref<!tpu.dma_semaphore, #tpu.memory_space<semaphore_mem>>
        %dma_start3A = arith.constant 0 : i32
        %dma_start3A_32 = tpu.memref_slice %arg7[%scan3A_31, %dma_start3A] : memref<79x128xi32, #tpu.memory_space<vmem>> -> memref<1x128xi32, #tpu.memory_space<vmem>>
        %dma_start3A_33 = tpu.memref_squeeze %dma_start3A_32 : memref<1x128xi32, #tpu.memory_space<vmem>> -> memref<128xi32, #tpu.memory_space<vmem>>
        %dma_start3A_34 = arith.constant 0 : i32
        %dma_start3A_35 = arith.constant 0 : i32
        %dma_start3A_36 = tpu.memref_slice %arg2[%dma_start3A_34, %dma_start3A_35] : memref<10016x128xf32, #tpu.memory_space<hbm>> -> memref<10016x128xf32, #tpu.memory_space<hbm>>
        tpu.enqueue_indirect_dma source(%dma_start3A_36 : memref<10016x128xf32, #tpu.memory_space<hbm>>) target(%arg9 : memref<128x128xf32, #tpu.memory_space<vmem>>) offsets(%dma_start3A_33 : memref<128xi32, #tpu.memory_space<vmem>>) semaphore(%run_scoped3A : memref<!tpu.dma_semaphore, #tpu.memory_space<semaphore_mem>>)
        %dma_wait3A = arith.constant 0 : i32
        %dma_wait3A_37 = tpu.memref_slice %arg7[%scan3A_31, %dma_wait3A] : memref<79x128xi32, #tpu.memory_space<vmem>> -> memref<1x128xi32, #tpu.memory_space<vmem>>
        %dma_wait3A_38 = tpu.memref_squeeze %dma_wait3A_37 : memref<1x128xi32, #tpu.memory_space<vmem>> -> memref<128xi32, #tpu.memory_space<vmem>>
        %dma_wait3A_39 = arith.constant 0 : i32
        %dma_wait3A_40 = arith.constant 0 : i32
        %dma_wait3A_41 = tpu.memref_slice %arg2[%dma_wait3A_39, %dma_wait3A_40] : memref<10016x128xf32, #tpu.memory_space<hbm>> -> memref<10016x128xf32, #tpu.memory_space<hbm>>
        tpu.wait_indirect_dma semaphore(%run_scoped3A : memref<!tpu.dma_semaphore, #tpu.memory_space<semaphore_mem>>) src(%dma_wait3A_41 : memref<10016x128xf32, #tpu.memory_space<hbm>>) dst(%arg9 : memref<128x128xf32, #tpu.memory_space<vmem>>)
        tpu.yield
      }) : () -> ()
      "tpu.region"() ({
        %run_scoped3A = tpu.sem_alloc : memref<!tpu.dma_semaphore, #tpu.memory_space<semaphore_mem>>
        %dma_start3A = arith.constant 0 : i32
        %dma_start3A_32 = tpu.memref_slice %arg8[%scan3A_31, %dma_start3A] : memref<79x128xi32, #tpu.memory_space<vmem>> -> memref<1x128xi32, #tpu.memory_space<vmem>>
        %dma_start3A_33 = tpu.memref_squeeze %dma_start3A_32 : memref<1x128xi32, #tpu.memory_space<vmem>> -> memref<128xi32, #tpu.memory_space<vmem>>
        %dma_start3A_34 = arith.constant 0 : i32
        %dma_start3A_35 = arith.constant 0 : i32
        %dma_start3A_36 = tpu.memref_slice %arg10[%dma_start3A_34, %dma_start3A_35] : memref<10240x128xf32, #tpu.memory_space<vmem_shared>> -> memref<10240x128xf32, #tpu.memory_space<vmem_shared>>
        tpu.enqueue_indirect_dma source(%arg9 : memref<128x128xf32, #tpu.memory_space<vmem>>) target(%dma_start3A_36 : memref<10240x128xf32, #tpu.memory_space<vmem_shared>>) offsets(%dma_start3A_33 : memref<128xi32, #tpu.memory_space<vmem>>) semaphore(%run_scoped3A : memref<!tpu.dma_semaphore, #tpu.memory_space<semaphore_mem>>) {add = true}
        %dma_wait3A = arith.constant 0 : i32
        %dma_wait3A_37 = tpu.memref_slice %arg8[%scan3A_31, %dma_wait3A] : memref<79x128xi32, #tpu.memory_space<vmem>> -> memref<1x128xi32, #tpu.memory_space<vmem>>
        %dma_wait3A_38 = tpu.memref_squeeze %dma_wait3A_37 : memref<1x128xi32, #tpu.memory_space<vmem>> -> memref<128xi32, #tpu.memory_space<vmem>>
        %dma_wait3A_39 = arith.constant 0 : i32
        %dma_wait3A_40 = arith.constant 0 : i32
        %dma_wait3A_41 = tpu.memref_slice %arg10[%dma_wait3A_39, %dma_wait3A_40] : memref<10240x128xf32, #tpu.memory_space<vmem_shared>> -> memref<10240x128xf32, #tpu.memory_space<vmem_shared>>
        tpu.wait_indirect_dma semaphore(%run_scoped3A : memref<!tpu.dma_semaphore, #tpu.memory_space<semaphore_mem>>) src(%arg9 : memref<128x128xf32, #tpu.memory_space<vmem>>) dst(%dma_wait3A_41 : memref<10240x128xf32, #tpu.memory_space<vmem_shared>>)
        tpu.yield
      }) : () -> ()
    }
    %scan3A_25 = arith.constant 79 : i32
    %barrier3A_26 = arith.constant 0 : index
    tpu.barrier barrier_id(%barrier3A_26)
    %mul3A_27 = arith.constant 640 : i32
    %mul3A_28 = arith.muli %arg1, %mul3A_27 : i32
    %mul3A_29 = arith.constant 640 : i32
    %mul3A_30 = arith.muli %arg1, %mul3A_29 : i32
    "tpu.region"() ({
      %run_scoped3A = tpu.sem_alloc : memref<!tpu.dma_semaphore, #tpu.memory_space<semaphore_mem>>
      %dma_start3A = arith.constant 0 : i32
      %dma_start3A_31 = tpu.memref_slice %arg6[%arg0, %mul3A_30, %dma_start3A] : memref<2x10240x128xf32, #tpu.memory_space<hbm>> -> memref<1x640x128xf32, #tpu.memory_space<hbm>>
      %dma_start3A_32 = tpu.memref_squeeze %dma_start3A_31 : memref<1x640x128xf32, #tpu.memory_space<hbm>> -> memref<640x128xf32, #tpu.memory_space<hbm>>
      %dma_start3A_33 = arith.constant 0 : i32
      %dma_start3A_34 = tpu.memref_slice %arg10[%mul3A_28, %dma_start3A_33] : memref<10240x128xf32, #tpu.memory_space<vmem_shared>> -> memref<640x128xf32, #tpu.memory_space<vmem_shared>>
      tpu.enqueue_dma source(%dma_start3A_34 : memref<640x128xf32, #tpu.memory_space<vmem_shared>>) target(%dma_start3A_32 : memref<640x128xf32, #tpu.memory_space<hbm>>) target_semaphore(%run_scoped3A : memref<!tpu.dma_semaphore, #tpu.memory_space<semaphore_mem>>)
      %dma_wait3A = arith.constant 0 : i32
      %dma_wait3A_35 = tpu.memref_slice %arg6[%arg0, %mul3A_30, %dma_wait3A] : memref<2x10240x128xf32, #tpu.memory_space<hbm>> -> memref<1x640x128xf32, #tpu.memory_space<hbm>>
      %dma_wait3A_36 = tpu.memref_squeeze %dma_wait3A_35 : memref<1x640x128xf32, #tpu.memory_space<hbm>> -> memref<640x128xf32, #tpu.memory_space<hbm>>
      %dma_wait3A_37 = arith.constant 0 : i32
      %dma_wait3A_38 = tpu.memref_slice %arg10[%mul3A_28, %dma_wait3A_37] : memref<10240x128xf32, #tpu.memory_space<vmem_shared>> -> memref<640x128xf32, #tpu.memory_space<vmem_shared>>
      tpu.wait_dma2 semaphore(%run_scoped3A : memref<!tpu.dma_semaphore, #tpu.memory_space<semaphore_mem>>) src(%dma_wait3A_38 : memref<640x128xf32, #tpu.memory_space<vmem_shared>>) dst(%dma_wait3A_36 : memref<640x128xf32, #tpu.memory_space<hbm>>)
      tpu.yield
    }) : () -> ()
    return
  }
}

module attributes {stable_mosaic.version = 14 : i64} {
  func.func @_tc_pre1(%arg0: memref<2x10240x128xf32, #tpu.memory_space<vmem>>, %arg1: memref<10016x128xf32, #tpu.memory_space<vmem>>, %arg2: memref<128x128xf32, #tpu.memory_space<vmem>>, %arg3: memref<10016x128xf32, #tpu.memory_space<vmem>>) attributes {dimension_semantics = [], scalar_prefetch = 0 : i64, scratch_operands = 0 : i64, tpu.core_type = #tpu.core_type<tc>} {
    %get3A = arith.constant 0 : index
    %get3A_0 = arith.constant 0 : index
    %get3A_1 = arith.constant 0 : index
    %get3A_2 = vector.load %arg0[%get3A, %get3A_0, %get3A_1] : memref<2x10240x128xf32, #tpu.memory_space<vmem>>, vector<1x10240x128xf32>
    %get3A_3 = vector.shape_cast %get3A_2 : vector<1x10240x128xf32> to vector<10240x128xf32>
    %slice3A = vector.extract_strided_slice %get3A_3 {offsets = [0, 0], sizes = [10016, 1], strides = [1, 1]} : vector<10240x128xf32> to vector<10016x1xf32>
    %get3A_4 = arith.constant 1 : index
    %get3A_5 = arith.constant 0 : index
    %get3A_6 = arith.constant 0 : index
    %get3A_7 = vector.load %arg0[%get3A_4, %get3A_5, %get3A_6] : memref<2x10240x128xf32, #tpu.memory_space<vmem>>, vector<1x10240x128xf32>
    %get3A_8 = vector.shape_cast %get3A_7 : vector<1x10240x128xf32> to vector<10240x128xf32>
    %slice3A_9 = vector.extract_strided_slice %get3A_8 {offsets = [0, 0], sizes = [10016, 1], strides = [1, 1]} : vector<10240x128xf32> to vector<10016x1xf32>
    %add3A = arith.addf %slice3A, %slice3A_9 : vector<10016x1xf32>
    %add3A_10 = arith.constant 1.000000e+00 : f32
    %add3A_11 = vector.broadcast %add3A_10 : f32 to vector<10016x1xf32>
    %add3A_12 = arith.addf %add3A, %add3A_11 : vector<10016x1xf32>
    %rsqrt3A = math.rsqrt %add3A_12 : vector<10016x1xf32>
    %get3A_13 = arith.constant 0 : index
    %get3A_14 = arith.constant 0 : index
    %get3A_15 = vector.load %arg1[%get3A_13, %get3A_14] : memref<10016x128xf32, #tpu.memory_space<vmem>>, vector<10016x128xf32>
    %get3A_16 = arith.constant 0 : index
    %get3A_17 = arith.constant 0 : index
    %get3A_18 = vector.load %arg2[%get3A_16, %get3A_17] : memref<128x128xf32, #tpu.memory_space<vmem>>, vector<128x128xf32>
    %dot_general3A = arith.constant dense<0.000000e+00> : vector<10016x128xf32>
    %dot_general3A_19 = tpu.matmul %get3A_15, %get3A_18, %dot_general3A {dimension_numbers = #tpu.dot_dimension_numbers<[1], [0], [0], [1], [0, 0, 1, 1], [], []>, transpose_lhs_hint = false} : vector<10016x128xf32>, vector<128x128xf32>, vector<10016x128xf32> -> vector<10016x128xf32>
    %mul3A = vector.broadcast %rsqrt3A : vector<10016x1xf32> to vector<10016x128xf32>
    %mul3A_20 = arith.mulf %mul3A, %dot_general3A_19 : vector<10016x128xf32>
    %swap3A = arith.constant 0 : index
    %swap3A_21 = arith.constant 0 : index
    %swap3A_22 = vector.load %arg3[%swap3A, %swap3A_21] : memref<10016x128xf32, #tpu.memory_space<vmem>>, vector<10016x128xf32>
    tpu.vector_store %arg3[%swap3A, %swap3A_21], %mul3A_20 {strides = array<i32>} : memref<10016x128xf32, #tpu.memory_space<vmem>>, vector<10016x128xf32>,
    return
  }
}

module attributes {stable_mosaic.version = 14 : i64} {
  func.func @_tc_mid(%arg0: memref<2x10240x128xf32, #tpu.memory_space<vmem>>, %arg1: memref<10016x128xf32, #tpu.memory_space<vmem>>, %arg2: memref<2x10240x128xf32, #tpu.memory_space<vmem>>, %arg3: memref<1x128xf32, #tpu.memory_space<vmem>>, %arg4: memref<128x128xf32, #tpu.memory_space<vmem>>, %arg5: memref<10016x128xf32, #tpu.memory_space<vmem>>) attributes {dimension_semantics = [], scalar_prefetch = 0 : i64, scratch_operands = 0 : i64, tpu.core_type = #tpu.core_type<tc>} {
    %get3A = arith.constant 0 : index
    %get3A_0 = arith.constant 0 : index
    %get3A_1 = arith.constant 0 : index
    %get3A_2 = vector.load %arg2[%get3A, %get3A_0, %get3A_1] : memref<2x10240x128xf32, #tpu.memory_space<vmem>>, vector<1x10240x128xf32>
    %get3A_3 = vector.shape_cast %get3A_2 : vector<1x10240x128xf32> to vector<10240x128xf32>
    %slice3A = vector.extract_strided_slice %get3A_3 {offsets = [0, 0], sizes = [10016, 1], strides = [1, 1]} : vector<10240x128xf32> to vector<10016x1xf32>
    %get3A_4 = arith.constant 1 : index
    %get3A_5 = arith.constant 0 : index
    %get3A_6 = arith.constant 0 : index
    %get3A_7 = vector.load %arg2[%get3A_4, %get3A_5, %get3A_6] : memref<2x10240x128xf32, #tpu.memory_space<vmem>>, vector<1x10240x128xf32>
    %get3A_8 = vector.shape_cast %get3A_7 : vector<1x10240x128xf32> to vector<10240x128xf32>
    %slice3A_9 = vector.extract_strided_slice %get3A_8 {offsets = [0, 0], sizes = [10016, 1], strides = [1, 1]} : vector<10240x128xf32> to vector<10016x1xf32>
    %add3A = arith.addf %slice3A, %slice3A_9 : vector<10016x1xf32>
    %add3A_10 = arith.constant 1.000000e+00 : f32
    %add3A_11 = vector.broadcast %add3A_10 : f32 to vector<10016x1xf32>
    %add3A_12 = arith.addf %add3A, %add3A_11 : vector<10016x1xf32>
    %rsqrt3A = math.rsqrt %add3A_12 : vector<10016x1xf32>
    %get3A_13 = arith.constant 0 : index
    %get3A_14 = arith.constant 0 : index
    %get3A_15 = arith.constant 0 : index
    %get3A_16 = vector.load %arg0[%get3A_13, %get3A_14, %get3A_15] : memref<2x10240x128xf32, #tpu.memory_space<vmem>>, vector<1x10240x128xf32>
    %get3A_17 = vector.shape_cast %get3A_16 : vector<1x10240x128xf32> to vector<10240x128xf32>
    %slice3A_18 = vector.extract_strided_slice %get3A_17 {offsets = [0, 0], sizes = [10016, 128], strides = [1, 1]} : vector<10240x128xf32> to vector<10016x128xf32>
    %get3A_19 = arith.constant 1 : index
    %get3A_20 = arith.constant 0 : index
    %get3A_21 = arith.constant 0 : index
    %get3A_22 = vector.load %arg0[%get3A_19, %get3A_20, %get3A_21] : memref<2x10240x128xf32, #tpu.memory_space<vmem>>, vector<1x10240x128xf32>
    %get3A_23 = vector.shape_cast %get3A_22 : vector<1x10240x128xf32> to vector<10240x128xf32>
    %slice3A_24 = vector.extract_strided_slice %get3A_23 {offsets = [0, 0], sizes = [10016, 128], strides = [1, 1]} : vector<10240x128xf32> to vector<10016x128xf32>
    %add3A_25 = arith.addf %slice3A_18, %slice3A_24 : vector<10016x128xf32>
    %get3A_26 = arith.constant 0 : index
    %get3A_27 = arith.constant 0 : index
    %get3A_28 = vector.load %arg1[%get3A_26, %get3A_27] : memref<10016x128xf32, #tpu.memory_space<vmem>>, vector<10016x128xf32>
    %add3A_29 = arith.addf %add3A_25, %get3A_28 : vector<10016x128xf32>
    %mul3A = vector.broadcast %rsqrt3A : vector<10016x1xf32> to vector<10016x128xf32>
    %mul3A_30 = arith.mulf %mul3A, %add3A_29 : vector<10016x128xf32>
    %get3A_31 = arith.constant 0 : index
    %get3A_32 = arith.constant 0 : index
    %get3A_33 = vector.load %arg3[%get3A_31, %get3A_32] : memref<1x128xf32, #tpu.memory_space<vmem>>, vector<1x128xf32>
    %add3A_34 = vector.broadcast %get3A_33 : vector<1x128xf32> to vector<10016x128xf32>
    %add3A_35 = arith.addf %mul3A_30, %add3A_34 : vector<10016x128xf32>
    %max3A = arith.constant 0.000000e+00 : f32
    %max3A_36 = vector.broadcast %max3A : f32 to vector<10016x128xf32>
    %max3A_37 = arith.maximumf %add3A_35, %max3A_36 : vector<10016x128xf32>
    %get3A_38 = arith.constant 0 : index
    %get3A_39 = arith.constant 0 : index
    %get3A_40 = vector.load %arg4[%get3A_38, %get3A_39] : memref<128x128xf32, #tpu.memory_space<vmem>>, vector<128x128xf32>
    %dot_general3A = arith.constant dense<0.000000e+00> : vector<10016x128xf32>
    %dot_general3A_41 = tpu.matmul %max3A_37, %get3A_40, %dot_general3A {dimension_numbers = #tpu.dot_dimension_numbers<[1], [0], [0], [1], [0, 0, 1, 1], [], []>, transpose_lhs_hint = false} : vector<10016x128xf32>, vector<128x128xf32>, vector<10016x128xf32> -> vector<10016x128xf32>
    %mul3A_42 = vector.broadcast %rsqrt3A : vector<10016x1xf32> to vector<10016x128xf32>
    %mul3A_43 = arith.mulf %mul3A_42, %dot_general3A_41 : vector<10016x128xf32>
    %swap3A = arith.constant 0 : index
    %swap3A_44 = arith.constant 0 : index
    %swap3A_45 = vector.load %arg5[%swap3A, %swap3A_44] : memref<10016x128xf32, #tpu.memory_space<vmem>>, vector<10016x128xf32>
    tpu.vector_store %arg5[%swap3A, %swap3A_44], %mul3A_43 {strides = array<i32>} : memref<10016x128xf32, #tpu.memory_space<vmem>>, vector<10016x128xf32>,
    return
  }
}

module attributes {stable_mosaic.version = 14 : i64} {
  func.func @_tc_post(%arg0: memref<2x10240x128xf32, #tpu.memory_space<vmem>>, %arg1: memref<10016x128xf32, #tpu.memory_space<vmem>>, %arg2: memref<2x10240x128xf32, #tpu.memory_space<vmem>>, %arg3: memref<1x64xf32, #tpu.memory_space<vmem>>, %arg4: memref<10016x64xf32, #tpu.memory_space<vmem>>) attributes {dimension_semantics = [], scalar_prefetch = 0 : i64, scratch_operands = 0 : i64, tpu.core_type = #tpu.core_type<tc>} {
    %get3A = arith.constant 0 : index
    %get3A_0 = arith.constant 0 : index
    %get3A_1 = arith.constant 0 : index
    %get3A_2 = vector.load %arg2[%get3A, %get3A_0, %get3A_1] : memref<2x10240x128xf32, #tpu.memory_space<vmem>>, vector<1x10240x128xf32>
    %get3A_3 = vector.shape_cast %get3A_2 : vector<1x10240x128xf32> to vector<10240x128xf32>
    %slice3A = vector.extract_strided_slice %get3A_3 {offsets = [0, 0], sizes = [10016, 1], strides = [1, 1]} : vector<10240x128xf32> to vector<10016x1xf32>
    %get3A_4 = arith.constant 1 : index
    %get3A_5 = arith.constant 0 : index
    %get3A_6 = arith.constant 0 : index
    %get3A_7 = vector.load %arg2[%get3A_4, %get3A_5, %get3A_6] : memref<2x10240x128xf32, #tpu.memory_space<vmem>>, vector<1x10240x128xf32>
    %get3A_8 = vector.shape_cast %get3A_7 : vector<1x10240x128xf32> to vector<10240x128xf32>
    %slice3A_9 = vector.extract_strided_slice %get3A_8 {offsets = [0, 0], sizes = [10016, 1], strides = [1, 1]} : vector<10240x128xf32> to vector<10016x1xf32>
    %add3A = arith.addf %slice3A, %slice3A_9 : vector<10016x1xf32>
    %add3A_10 = arith.constant 1.000000e+00 : f32
    %add3A_11 = vector.broadcast %add3A_10 : f32 to vector<10016x1xf32>
    %add3A_12 = arith.addf %add3A, %add3A_11 : vector<10016x1xf32>
    %rsqrt3A = math.rsqrt %add3A_12 : vector<10016x1xf32>
    %get3A_13 = arith.constant 0 : index
    %get3A_14 = arith.constant 0 : index
    %get3A_15 = arith.constant 0 : index
    %get3A_16 = vector.load %arg0[%get3A_13, %get3A_14, %get3A_15] : memref<2x10240x128xf32, #tpu.memory_space<vmem>>, vector<1x10240x128xf32>
    %get3A_17 = vector.shape_cast %get3A_16 : vector<1x10240x128xf32> to vector<10240x128xf32>
    %slice3A_18 = vector.extract_strided_slice %get3A_17 {offsets = [0, 0], sizes = [10016, 128], strides = [1, 1]} : vector<10240x128xf32> to vector<10016x128xf32>
    %get3A_19 = arith.constant 1 : index
    %get3A_20 = arith.constant 0 : index
    %get3A_21 = arith.constant 0 : index
    %get3A_22 = vector.load %arg0[%get3A_19, %get3A_20, %get3A_21] : memref<2x10240x128xf32, #tpu.memory_space<vmem>>, vector<1x10240x128xf32>
    %get3A_23 = vector.shape_cast %get3A_22 : vector<1x10240x128xf32> to vector<10240x128xf32>
    %slice3A_24 = vector.extract_strided_slice %get3A_23 {offsets = [0, 0], sizes = [10016, 128], strides = [1, 1]} : vector<10240x128xf32> to vector<10016x128xf32>
    %add3A_25 = arith.addf %slice3A_18, %slice3A_24 : vector<10016x128xf32>
    %slice3A_26 = vector.extract_strided_slice %add3A_25 {offsets = [0, 0], sizes = [10016, 64], strides = [1, 1]} : vector<10016x128xf32> to vector<10016x64xf32>
    %get3A_27 = arith.constant 0 : index
    %get3A_28 = arith.constant 0 : index
    %get3A_29 = vector.load %arg1[%get3A_27, %get3A_28] : memref<10016x128xf32, #tpu.memory_space<vmem>>, vector<10016x64xf32>
    %add3A_30 = arith.addf %slice3A_26, %get3A_29 : vector<10016x64xf32>
    %mul3A = vector.broadcast %rsqrt3A : vector<10016x1xf32> to vector<10016x64xf32>
    %mul3A_31 = arith.mulf %mul3A, %add3A_30 : vector<10016x64xf32>
    %get3A_32 = arith.constant 0 : index
    %get3A_33 = arith.constant 0 : index
    %get3A_34 = vector.load %arg3[%get3A_32, %get3A_33] : memref<1x64xf32, #tpu.memory_space<vmem>>, vector<1x64xf32>
    %add3A_35 = vector.broadcast %get3A_34 : vector<1x64xf32> to vector<10016x64xf32>
    %add3A_36 = arith.addf %mul3A_31, %add3A_35 : vector<10016x64xf32>
    %swap3A = arith.constant 0 : index
    %swap3A_37 = arith.constant 0 : index
    %swap3A_38 = vector.load %arg4[%swap3A, %swap3A_37] : memref<10016x64xf32, #tpu.memory_space<vmem>>, vector<10016x64xf32>
    tpu.vector_store %arg4[%swap3A, %swap3A_37], %add3A_36 {strides = array<i32>} : memref<10016x64xf32, #tpu.memory_space<vmem>>, vector<10016x64xf32>,
    return
  }
}

</mosaic_0001>

<sc_bundles>
// kernel: kernel.10.cloned.1.call-start
scs
__scs_entry_jumppad:
0x0: {  	(pc) =	sbr.rel $0x88, $3  }
0x1: {  	(tag) =	ssettag $0x0;
	lr =	simm.s32 $0x1  }
0x2: {  	[smem:$0x3F99] =	sst lr;
	_ =	strace $0xD0000000  }
0x3: {  	_ = 	snop  }
0x4: {  	_ = 	snop  }
0x5: {  	_ = 	snop  }
0x6: {  	_ = 	snop  }
0x7: {  	_ = 	snop  }
__scs_overlays_trampoline_lowered:
0x8: {  	[smem:$0x3FA8] =	sst s0  }
0x9: {  	[smem:$0x3FA9] =	sst s1  }
0xa: {  	[smem:$0x3FAA] =	sst s2  }
0xb: {  	[smem:$0x3FAB] =	sst s3  }
0xc: {  	[smem:$0x3FAC] =	sst s4  }
0xd: {  	[smem:$0x3FAD] =	sst s5  }
0xe: {  	[smem:$0x3FAE] =	sst s6  }
0xf: {  	[smem:$0x3FAF] =	sst s7  }
0x10: {  	[smem:$0x3FB0] =	sst s8  }
0x11: {  	[smem:$0x3FB1] =	sst s9;
	s0 =	simm.s32 @!p0 $0x0  }
0x12: {  	s1 =	sld [smem:$0x3F97];
	s0 =	simm.s32 @p0 $0x1  }
0x13: {  	[smem:$0x3FB2] =	sst s0;
	s0 =	simm.s32 @!p1 $0x0  }
0x14: {  	s2 =	sld [smem:$0x3F96];
	s0 =	simm.s32 @p1 $0x1  }
0x15: {  	[smem:$0x3FB3] =	sst s0;
	s0 =	simm.s32 @!p2 $0x0  }
0x16: {  	s3 =	sld [smem:$0x3FDB];
	s0 =	simm.s32 @p2 $0x1  }
0x17: {  	s4 =	simm.s32 $0x1BF5;
	[smem:$0x3FB5] =	sst s0  }
0x18: {  	s0 =	sld [smem:$0x3F98];
	_ =	swait.ge [sflag:s4], $0x0  }
0x19: {  	s7 =	sld [smem:$0x3F99]  }
0x1a: {  	s8 =	sadd.s32 $0xFFFFE003, lr  }
0x1b: {  	s9 =	sadd.s32 $0xFFFFFEF7, lr;
	s5 =	simm.s32 $0xFFFFFFFF;
	p2 =	slt.u32 s8, $0xFFFFF086  }
0x1c: {  	p1 =	slt.u32 s9, $0xF7A;
	s5 =	simm.s32 @!p2 $0x0  }
0x1d: {  	s5 =	simm.s32 @p1 $0x1;
	p0 =	seq.s32 s7, s2  }
0x1e: {  	s7 =	smul.u32 @!p0 $0xF7A, s2;
	p2 =	seq.s32 @!p0 s5, $0x0  }
0x1f: {  	s9 =	smul.u32 $0xF7A, s1;
	s8 =	simm.s32 @!p0 $0x1BF5;
	p2 =	por !p2, p0  }
0x20: {  	[sflag:s8] =	ssyncset.s32 @!p0 $0xFFFFF086;
	s6 =	sadd.s32 @!p0 s3, s7;
	s7 =	simm.s32 @!p0 $0x108  }
0x21: {  	s3 =	sadd.s32 s3, s9;
	s6 =	sadd.s32 @!p0 $0x88, s6;
	s7 =	simm.s32 @p2 $0x1082  }
0x22: {  	[simem:s7], [sflag:s8] =	dma.local @!p0 [hbm:s6], $0xF7A  }
0x23: {  	s9 =	sor.u32 $0xD0000000, s2;
	s6 =	simm.s32 $0x108;
	_ =	swait.ge @!p0 [sflag:s8], $0x0  }
0x24: {  	s3 =	sadd.s32 $0x88, s3;
	s6 =	simm.s32 @!p1 $0x1082;
	[sflag:s4] =	ssyncset.s32 $0xFFFFF086  }
0x25: {  	[simem:s6], [sflag:s4] =	dma.local [hbm:s3], $0xF7A  }
0x26: {  	[smem:$0x3F99] =	sst s1;
	(tag) =	ssettag s2;
	_ =	strace s9  }
0x27: {  	s1 =	sld [smem:$0x3FA9]  }
0x28: {  	s2 =	sld [smem:$0x3FAA]  }
0x29: {  	s4 =	sld [smem:$0x3FAC]  }
0x2a: {  	p0 =	seq.s32 s5, $0x0;
	s5 =	sld [smem:$0x3FAD]  }
0x2b: {  	s6 =	sld [smem:$0x3FAE]  }
0x2c: {  	s7 =	sld [smem:$0x3FAF]  }
0x2d: {  	s3 =	simm.s32 $0x108;
	s8 =	sld [smem:$0x3FB0]  }
0x2e: {  	s3 =	simm.s32 @!p0 $0x1082;
	s9 =	sld [smem:$0x3FB1]  }
0x2f: {  	lr =	sadd.s32 s0, s3;
	s0 =	sld [smem:$0x3FA8]  }
0x30: {  	s3 =	sld [smem:$0x3FAB]  }
0x31: {  	[smem:$0x3FB4] =	sst s10  }
0x32: {  	s10 =	sld [smem:$0x3FB2];
	_ =	sdelay $0x3  }
0x33: {  	p0 =	seq.s32 s10, $0x1;
	s10 =	sld [smem:$0x3FB4];
	_ =	sdelay $0x3  }
0x34: {  	[smem:$0x3FB4] =	sst s10  }
0x35: {  	s10 =	sld [smem:$0x3FB3];
	_ =	sdelay $0x3  }
0x36: {  	p1 =	seq.s32 s10, $0x1;
	s10 =	sld [smem:$0x3FB4];
	_ =	sdelay $0x3  }
0x37: {  	[smem:$0x3FB4] =	sst s10  }
0x38: {  	s10 =	sld [smem:$0x3FB5]  }
0x39: {  	_ = 	snop;
	(pc) =	sbr.ind lr, $3  }
0x3a: {  	_ = 	snop  }
0x3b: {  	_ = 	snop  }
0x3c: {  	p2 =	seq.s32 s10, $0x1;
	s10 =	sld [smem:$0x3FB4]  }
0x3d: {  	_ =	shalt  }
0x3e: {  	_ =	shalt  }
0x3f: {  	_ =	shalt  }
0x40: {  	_ =	shalt  }
0x41: {  	_ =	shalt  }
0x42: {  	_ =	shalt  }
0x43: {  	_ =	shalt  }
0x44: {  	_ =	shalt  }
0x45: {  	_ =	shalt  }
0x46: {  	_ =	shalt  }
0x47: {  	_ =	shalt  }
0x48: {  	_ =	shalt  }
0x49: {  	_ =	shalt  }
0x4a: {  	_ =	shalt  }
0x4b: {  	_ =	shalt  }
0x4c: {  	_ =	shalt  }
0x4d: {  	_ =	shalt  }
0x4e: {  	_ =	shalt  }
0x4f: {  	_ =	shalt  }
0x50: {  	_ =	shalt  }
0x51: {  	_ =	shalt  }
0x52: {  	_ =	shalt  }
0x53: {  	_ =	shalt  }
0x54: {  	_ =	shalt  }
0x55: {  	_ =	shalt  }
0x56: {  	_ =	shalt  }
0x57: {  	_ =	shalt  }
0x58: {  	_ =	shalt  }
0x59: {  	_ =	shalt  }
0x5a: {  	_ =	shalt  }
0x5b: {  	_ =	shalt  }
0x5c: {  	_ =	shalt  }
0x5d: {  	_ =	shalt  }
0x5e: {  	_ =	shalt  }
0x5f: {  	_ =	shalt  }
0x60: {  	_ =	shalt  }
0x61: {  	_ =	shalt  }
0x62: {  	_ =	shalt  }
0x63: {  	_ =	shalt  }
0x64: {  	_ =	shalt  }
0x65: {  	_ =	shalt  }
0x66: {  	_ =	shalt  }
0x67: {  	_ =	shalt  }
0x68: {  	_ =	shalt  }
0x69: {  	_ =	shalt  }
0x6a: {  	_ =	shalt  }
0x6b: {  	_ =	shalt  }
0x6c: {  	_ =	shalt  }
0x6d: {  	_ =	shalt  }
0x6e: {  	_ =	shalt  }
0x6f: {  	_ =	shalt  }
0x70: {  	_ =	shalt  }
0x71: {  	_ =	shalt  }
0x72: {  	_ =	shalt  }
0x73: {  	_ =	shalt  }
0x74: {  	_ =	shalt  }
0x75: {  	_ =	shalt  }
0x76: {  	_ =	shalt  }
0x77: {  	_ =	shalt  }
0x78: {  	_ =	shalt  }
0x79: {  	_ =	shalt  }
0x7a: {  	_ =	shalt  }
0x7b: {  	_ =	shalt  }
0x7c: {  	_ =	shalt  }
0x7d: {  	_ =	shalt  }
0x7e: {  	_ =	shalt  }
0x7f: {  	_ =	shalt  }
0x80: {  	_ =	shalt  }
0x81: {  	_ =	shalt  }
0x82: {  	_ =	shalt  }
0x83: {  	_ =	shalt  }
0x84: {  	_ =	shalt  }
0x85: {  	_ =	shalt  }
0x86: {  	_ =	shalt  }
0x87: {  	_ =	shalt  }
.Lfunc_end0:
.L_simem_size_0:
called_computation_lowered:
.L_overlay_start_0:
0x88: {  	s2 =	sld [smem:$0x3FD9]  }
0x89: {  	s3 =	sld [smem:$0x3FFE];
	_ =	sdelay $0x1  }
0x8a: {  	s1 =	srdreg.scid  }
0x8b: {  	s0 =	sand.u32 $0x1, s1  }
0x8c: {  	s17 =	sshll.u32 s0, $0xA;
	s2 =	sadd.s32 s3, s2  }
0x8d: {  	s2 =	sadd.s32 s2, s17  }
0x8e: {  	[smem:$0x3FC0] =	sst s2  }
0x8f: {  	_ = 	snop  }
0x90: {  	s2 =	sld [smem:$0x3FD0];
	(tm) =	ssettm $0x1  }
0x91: {  	s18 =	sld [smem:$0x3FFB];
	_ =	sdelay $0x3  }
0x92: {  	_ =	strace s18  }
0x93: {  	s3 =	sld [smem:$0x3FFC];
	_ =	sdelay $0x3  }
0x94: {  	_ =	strace s3  }
0x95: {  	s3 =	sld [smem:$0x3FFD];
	_ =	sdelay $0x3  }
0x96: {  	_ =	strace s3  }
0x97: {  	_ =	strace $0x8FFFFFFF  }
0x98: {  	s19 =	sld [smem:$0x3FDB];
	_ =	sdelay $0x1  }
0x99: {  	s4 =	simm.s32 $_scs_section_size  }
0x9a: {  	s5 =	simm.s32 $_size__tile_overlayer_lowered;
	s6 =	simm.s32 $_tile_overlayer_lowered  }
0x9b: {  	s22 =	simm.s32 $0x1BFF;
	s21 =	sshll.u32 s6, $0x1;
	s3 =	sadd.s32 s4, s19  }
0x9c: {  	s7 =	simm.s32 $0x0;
	s20 =	sshll.u32 s5, $0x1;
	s5 =	sadd.s32 s21, s3  }
0x9d: {  	[timem:s7], [sflag:s22] =	dma.local [hbm:s5], s20  }
0x9e: {  	_ =	swait.ge [sflag:s22], s20  }
0x9f: {  	s4 =	ssub.s32 $0x0, s20;
	[sflag:s22] =	ssyncset.done $0x0  }
0xa0: {  	[sflag:s22] =	ssyncadd.s32 s4;
	_ =	sdelay $0x1  }
0xa1: {  	s23 =	simm.s32 $0x1B8B  }
0xa2: {  	_ =	swait.ge [sflag:s23], $0x1  }
0xa3: {  	[sflag:s23] =	ssyncset.done $0x0  }
0xa4: {  	s25 =	simm.s32 $0x1B8E;
	s24 =	sld [smem:$0x3FFE];
	[sflag:s23] =	ssyncadd.s32 $0xFFFFFFFF  }
0xa5: {  	s26 =	simm.s32 $execute0_lowered;
	[smem:$0x3FD2] =	sst s25  }
0xa6: {  	s5 =	sshll.u32 s26, $0x1;
	_ =	strace $0x80000046;
	[dreg:$0x1] =	wrdreg $0xFFFFFFFF  }
0xa7: {  	s28 =	simm.s32 $_size_execute0_lowered;
	s3 =	sadd.s32 s3, s5;
	[dreg:$0x0] =	wrdreg $0x0  }
0xa8: {  	s5 =	sshll.u32 s28, $0x1;
	[dreg:$0x2] =	wrdreg s3  }
0xa9: {  	[dreg:$0x3] =	wrdreg s5  }
0xaa: {  	[dreg:$0x4] =	wrdreg $0xC0  }
0xab: {  	_ =	task [dreg:s7], $0x5FFFF  }
0xac: {  	[dreg:$0x1] =	wrdreg $0xFFFFFFFF  }
0xad: {  	[dreg:$0x0] =	wrdreg $0x60  }
0xae: {  	[dreg:$0x2] =	wrdreg s2  }
0xaf: {  	[dreg:$0x3] =	wrdreg s24  }
0xb0: {  	[dreg:$0x4] =	wrdreg $0x68000  }
0xb1: {  	[dreg:$0x5] =	wrdreg $0x9  }
0xb2: {  	_ =	task.clear_ibuf [dreg:s7], $0x6FFFF;
	_ =	strace $0x90000046  }
0xb3: {  	s29 =	simm.s32 $0x9;
	_ =	strace $0x80000048  }
0xb4: {  	_ =	swait.ge [sflag:s29], $0x1  }
0xb5: {  	[sflag:s29] =	ssyncadd.s32 $0xFFFFFFFF  }
0xb6: {  	_ =	strace $0x90000048  }
0xb7: {  	_ =	sfence  }
0xb8: {  	s30 =	sld [smem:$0x0];
	_ =	sdelay $0x2  }
0xb9: {  	s31 =	sshll.u32 s1, $0xD;
	s1 =	sshrl.u32 s1, $0x2  }
0xba: {  	s3 =	sand.u32 $0x4000, s31;
	s1 =	sadd.s32 s1, s30  }
0xbb: {  	s0 =	sor.u32 s3, s0;
	s1 =	sshll.u32 s1, $0x11  }
0xbc: {  	s0 =	sor.u32 s1, s0  }
0xbd: {  	s0 =	sadd.s32 $0x8F2B, s0  }
0xbe: {  	[sflag:s0] =	ssyncadd.remote.s32 $0x1  }
0xbf: {  	_ =	sfence.sel $0xFFFF  }
0xc0: {  	[dreg:$0x0] =	wrdreg $0xFFFFFFFF;
	(pc) =	sbr.abs _section_cstart, $3  }
0xc1: {  	[dreg:$0x1] =	wrdreg $0xFFFFFFFF  }
0xc2: {  	_ =	task.clear_ibuf [dreg:s7], $0x2FFFF;
	_ =	strace $0x9FFFFFFF  }
0xc3: {  	(tm) =	ssettm $0x7FFFFFFF  }
tec
execute0_lowered:
.L_overlay_start_1:
0x0: {  	(tag) =	ssettag $0x1  }
0x1: {  	s11 =	rddreg [dreg:$0x0]  }
0x2: {  	s6 =	rddreg [dreg:$0x1]  }
0x3: {  	s0 =	srdreg.scid;
	s2 =	rddreg [dreg:$0x2]  }
0x4: {  	s1 =	stileid.u32;
	s3 =	simm.s32 $0x0;
	s15 =	simm.s32 $0x1  }
0x5: {  	s16 =	simm.s32 $0x80;
	s19 =	simm.s32 $0x0;
	s5 =	smul.u32 $0x14000, s1  }
0x6: {  	s7 =	sand.u32 $0x1, s0;
	s0 =	rddreg [dreg:$0x3];
	s9 =	smul.u32 $0x50000, s1  }
0x7: {  	[smem:$0x7FF] =	sst s3;
	s17 =	sshll.u32 s1, $0x6;
	s4 =	smul.u32 $0x140000, s7  }
0x8: {  	_ =	strace $0x80000047;
	s29 =	sshll.u32 s7, $0x4;
	s7 =	ssub.s32 $0x2, s7  }
0x9: {  	s17 =	sor.u32 $0x1C01, s17;
	s30 =	sshrl.u32 s9, $0x2;
	s31 =	sor.u32 s1, s29  }
0xa: {  	s10 =	sshrl.u32 s7, $0x1;
	s5 =	sadd.s32 s5, s4;
	s4 =	sadd.s32 $0x2C00, s6  }
0xb: {  	s13 =	smul.u32 $0x500, s31;
	s14 =	ssub.s32 s7, s10;
	s8 =	sshrl.u32 s5, $0x3  }
0xc: {  	s5 =	sadd.s32 $0x3400, s6;
	s12 =	sadd.s32 s8, s6;
	s6 =	sadd.s32 s30, s2  }
0xd: {  	s11 =	sadd.s32 s11, s13;
	s13 =	smax.u32 s14, $0x1;
	s14 =	simm.s32 $0x2800  }
0xe: {  	s7 =	sadd.s32 $0x4000, s6;
	s8 =	sadd.s32 $0x8000, s6;
	s9 =	sadd.s32 $0xC000, s6  }
0xf: {  	s10 =	sadd.s32 $0x10000, s6;
	s12 =	sadd.s32 $0x3C00, s12;
	s18 =	sshrl.u32 s6, $0x3  }
.LBB2_1:
0x10: {  	[tilespmem:s14], [sflag:$0x1] =	stream.linear.gather [hbm4b:s5+s3], $0x4000, $0x38;
	[tilespmem:$0x1A800] =	vst v63  }
0x11: {  	_ =	swait.ge [sflag:s15], $0x4000  }
0x12: {  	[sflag:s15] =	ssyncset.done $0x0  }
0x13: {  	[sflag:s15] =	ssyncadd.s32 $0xFFFFC000  }
0x14: {  	[spmem:s6] =	stream.linear.scatter [tilespmem:s14], [sflag:$0x1], $0x4000, $0x38;
	[tilespmem:$0x1A800] =	vst v63  }
0x15: {  	_ =	swait.ge [sflag:s15], $0x4000  }
0x16: {  	[sflag:s15] =	ssyncset.done $0x0  }
0x17: {  	[sflag:s15] =	ssyncadd.s32 $0xFFFFC000  }
0x18: {  	[spmem:s7] =	stream.linear.scatter [tilespmem:s14], [sflag:$0x1], $0x4000, $0x38;
	[tilespmem:$0x1A800] =	vst v63  }
0x19: {  	_ =	swait.ge [sflag:s15], $0x4000  }
0x1a: {  	[sflag:s15] =	ssyncset.done $0x0  }
0x1b: {  	[sflag:s15] =	ssyncadd.s32 $0xFFFFC000  }
0x1c: {  	[spmem:s8] =	stream.linear.scatter [tilespmem:s14], [sflag:$0x1], $0x4000, $0x38;
	[tilespmem:$0x1A800] =	vst v63  }
0x1d: {  	_ =	swait.ge [sflag:s15], $0x4000  }
0x1e: {  	[sflag:s15] =	ssyncset.done $0x0  }
0x1f: {  	[sflag:s15] =	ssyncadd.s32 $0xFFFFC000  }
0x20: {  	[spmem:s9] =	stream.linear.scatter [tilespmem:s14], [sflag:$0x1], $0x4000, $0x38;
	[tilespmem:$0x1A800] =	vst v63  }
0x21: {  	_ =	swait.ge [sflag:s15], $0x4000  }
0x22: {  	[sflag:s15] =	ssyncset.done $0x0  }
0x23: {  	[sflag:s15] =	ssyncadd.s32 $0xFFFFC000  }
0x24: {  	[spmem:s10] =	stream.linear.scatter [tilespmem:s14], [sflag:$0x1], $0x4000, $0x38;
	[tilespmem:$0x1A800] =	vst v63  }
0x25: {  	_ =	swait.ge [sflag:s15], $0x4000  }
0x26: {  	[sflag:s15] =	ssyncset.done $0x0  }
0x27: {  	[sflag:s15] =	ssyncadd.s32 $0xFFFFC000  }
0x28: {  	[tilespmem:s14], [sflag:$0x1] =	stream.linear.gather [hbm4b:s4+s3], $0x4000, $0x38;
	[tilespmem:$0x1A800] =	vst v63  }
0x29: {  	_ =	swait.ge [sflag:s15], $0x4000  }
0x2a: {  	[sflag:s15] =	ssyncset.done $0x0  }
0x2b: {  	[sflag:s15] =	ssyncadd.s32 $0xFFFFC000  }
0x2c: {  	[tilespmem:s3], [sflag:$0x1] =	stream.linear.gather [hbm4b:s11+s3], $0x2780, $0x38;
	[tilespmem:$0x1A800] =	vst v63  }
0x2d: {  	_ =	swait.ge [sflag:s15], $0x2780  }
0x2e: {  	[sflag:s15] =	ssyncset.done $0x0  }
0x2f: {  	[sflag:s15] =	ssyncadd.s32 $0xFFFFD880  }
0x30: {  	s20 =	simm.s32 $0x0;
	[bflag:$0x0] =	sbarrier.arrive $0xFFFF  }
0x31: {  	[spmem:s2] =	stream.indirect.scatter.add.f32 [tilespmem:s14], [sflag:$0x1], $0x80, s20, s16, $0xb8;
	[tilespmem:$0x1A800] =	vst v63  }
0x32: {  	_ =	swait.ge [sflag:s15], $0x4000  }
0x33: {  	s20 =	simm.s32 $0x200;
	[sflag:s15] =	ssyncset.done $0x0  }
.LBB2_2:
0x34: {  	s21 =	sshra.s32 s20, $0x2;
	[sflag:s15] =	ssyncadd.s32 $0xFFFFC000;
	p0 =	sne.s32 s20, $0x9C00  }
0x35: {  	[spmem:s2] =	stream.indirect.scatter.add.f32 [tilespmem:s14], [sflag:$0x1], $0x80, s21, s16, $0xb8;
	[tilespmem:$0x1A800] =	vst v63  }
.Ltmp0:
0x36: {  	_ = 	snop;
	(pc) =	sbr.rel @p0 .LBB2_2-.Ltmp0, $4  }
0x37: {  	_ = 	snop  }
0x38: {  	s20 =	sadd.s32 $0x200, s20  }
0x39: {  	_ =	swait.ge [sflag:s15], $0x4000  }
0x3a: {  	[sflag:s15] =	ssyncset.done $0x0  }
0x3b: {  	s19 =	sadd.s32 $0x1, s19  }
0x3c: {  	[sflag:s15] =	ssyncadd.s32 $0xFFFFC000;
	p0 =	sne.s32 s19, s13  }
.Ltmp1:
0x3d: {  	[bflag:$0x0] =	sbarrier.arrive $0xFFFF;
	(pc) =	sbr.rel @p0 .LBB2_1-.Ltmp1, $4  }
0x3e: {  	[hbm:s12], [sflag:s17] =	dma.local [spmem:s18], $0x2800  }
0x3f: {  	_ =	swait.ge [sflag:s15], $0x2800  }
0x40: {  	[sflag:s15] =	ssyncset.done $0x0  }
0x41: {  	[sflag:s15] =	ssyncadd.s32 $0xFFFFD800  }
0x42: {  	_ =	sfence.sel $0x180000  }
0x43: {  	[bflag:$0x0] =	sbarrier.arrive $0xFFFF  }
0x44: {  	p0 =	sne.s32 s1, $0x0;
	_ =	strace $0x90000047  }
0x45: {  	s0 =	sadd.s32 @!p0 $0x100000, s0;
	[bflag:$0x2] =	sbarrier.arrive $0xFFFF  }
0x46: {  	[sflag:s0] =	ssyncadd.tile.s32 @!p0 $0x1;
	_ =	shalt  }
.Lfunc_end2:
_tile_overlayer_lowered:
.L_overlay_start_2:
0x47: {  	(tag) =	ssettag $0x2  }
0x48: {  	s0 =	rddreg [dreg:$0x0];
	s2 =	stileid.u32  }
0x49: {  	s1 =	rddreg [dreg:$0x1];
	p0 =	sne.s32 s2, $0x0  }
0x4a: {  	s3 =	rddreg [dreg:$0x2];
	[bflag:$0x3] =	sbarrier.arrive $0xFFFF;
	s2 =	simm.s32 @!p0 $0x1C01  }
0x4b: {  	[timem:s3], [sflag:s2] =	dma.local @!p0 [hbm:s0], s1  }
0x4c: {  	s0 =	simm.s32 @!p0 $0x1  }
0x4d: {  	_ =	swait.ge @!p0 [sflag:s0], s1  }
0x4e: {  	s1 =	ssub.s32 @!p0 $0x0, s1;
	[sflag:s0] =	ssyncset.done @!p0 $0x0  }
0x4f: {  	[sflag:s0] =	ssyncadd.s32 @!p0 s1  }
0x50: {  	[bflag:$0x3] =	sbarrier.arrive $0xFFFF  }
0x51: {  	_ =	shalt  }

// kernel: kernel.13.cloned.1.call-start
scs
__scs_entry_jumppad:
0x0: {  	(pc) =	sbr.rel $0x88, $3  }
0x1: {  	(tag) =	ssettag $0x0;
	lr =	simm.s32 $0x1  }
0x2: {  	[smem:$0x3F99] =	sst lr;
	_ =	strace $0xD0000000  }
0x3: {  	_ = 	snop  }
0x4: {  	_ = 	snop  }
0x5: {  	_ = 	snop  }
0x6: {  	_ = 	snop  }
0x7: {  	_ = 	snop  }
__scs_overlays_trampoline_lowered:
0x8: {  	[smem:$0x3FA8] =	sst s0  }
0x9: {  	[smem:$0x3FA9] =	sst s1  }
0xa: {  	[smem:$0x3FAA] =	sst s2  }
0xb: {  	[smem:$0x3FAB] =	sst s3  }
0xc: {  	[smem:$0x3FAC] =	sst s4  }
0xd: {  	[smem:$0x3FAD] =	sst s5  }
0xe: {  	[smem:$0x3FAE] =	sst s6  }
0xf: {  	[smem:$0x3FAF] =	sst s7  }
0x10: {  	[smem:$0x3FB0] =	sst s8  }
0x11: {  	[smem:$0x3FB1] =	sst s9;
	s0 =	simm.s32 @!p0 $0x0  }
0x12: {  	s1 =	sld [smem:$0x3F97];
	s0 =	simm.s32 @p0 $0x1  }
0x13: {  	[smem:$0x3FB2] =	sst s0;
	s0 =	simm.s32 @!p1 $0x0  }
0x14: {  	s2 =	sld [smem:$0x3F96];
	s0 =	simm.s32 @p1 $0x1  }
0x15: {  	[smem:$0x3FB3] =	sst s0;
	s0 =	simm.s32 @!p2 $0x0  }
0x16: {  	s3 =	sld [smem:$0x3FDB];
	s0 =	simm.s32 @p2 $0x1  }
0x17: {  	s4 =	simm.s32 $0x1BF5;
	[smem:$0x3FB5] =	sst s0  }
0x18: {  	s0 =	sld [smem:$0x3F98];
	_ =	swait.ge [sflag:s4], $0x0  }
0x19: {  	s7 =	sld [smem:$0x3F99]  }
0x1a: {  	s8 =	sadd.s32 $0xFFFFE003, lr  }
0x1b: {  	s9 =	sadd.s32 $0xFFFFFEF7, lr;
	s5 =	simm.s32 $0xFFFFFFFF;
	p2 =	slt.u32 s8, $0xFFFFF086  }
0x1c: {  	p1 =	slt.u32 s9, $0xF7A;
	s5 =	simm.s32 @!p2 $0x0  }
0x1d: {  	s5 =	simm.s32 @p1 $0x1;
	p0 =	seq.s32 s7, s2  }
0x1e: {  	s7 =	smul.u32 @!p0 $0xF7A, s2;
	p2 =	seq.s32 @!p0 s5, $0x0  }
0x1f: {  	s9 =	smul.u32 $0xF7A, s1;
	s8 =	simm.s32 @!p0 $0x1BF5;
	p2 =	por !p2, p0  }
0x20: {  	[sflag:s8] =	ssyncset.s32 @!p0 $0xFFFFF086;
	s6 =	sadd.s32 @!p0 s3, s7;
	s7 =	simm.s32 @!p0 $0x108  }
0x21: {  	s3 =	sadd.s32 s3, s9;
	s6 =	sadd.s32 @!p0 $0x88, s6;
	s7 =	simm.s32 @p2 $0x1082  }
0x22: {  	[simem:s7], [sflag:s8] =	dma.local @!p0 [hbm:s6], $0xF7A  }
0x23: {  	s9 =	sor.u32 $0xD0000000, s2;
	s6 =	simm.s32 $0x108;
	_ =	swait.ge @!p0 [sflag:s8], $0x0  }
0x24: {  	s3 =	sadd.s32 $0x88, s3;
	s6 =	simm.s32 @!p1 $0x1082;
	[sflag:s4] =	ssyncset.s32 $0xFFFFF086  }
0x25: {  	[simem:s6], [sflag:s4] =	dma.local [hbm:s3], $0xF7A  }
0x26: {  	[smem:$0x3F99] =	sst s1;
	(tag) =	ssettag s2;
	_ =	strace s9  }
0x27: {  	s1 =	sld [smem:$0x3FA9]  }
0x28: {  	s2 =	sld [smem:$0x3FAA]  }
0x29: {  	s4 =	sld [smem:$0x3FAC]  }
0x2a: {  	p0 =	seq.s32 s5, $0x0;
	s5 =	sld [smem:$0x3FAD]  }
0x2b: {  	s6 =	sld [smem:$0x3FAE]  }
0x2c: {  	s7 =	sld [smem:$0x3FAF]  }
0x2d: {  	s3 =	simm.s32 $0x108;
	s8 =	sld [smem:$0x3FB0]  }
0x2e: {  	s3 =	simm.s32 @!p0 $0x1082;
	s9 =	sld [smem:$0x3FB1]  }
0x2f: {  	lr =	sadd.s32 s0, s3;
	s0 =	sld [smem:$0x3FA8]  }
0x30: {  	s3 =	sld [smem:$0x3FAB]  }
0x31: {  	[smem:$0x3FB4] =	sst s10  }
0x32: {  	s10 =	sld [smem:$0x3FB2];
	_ =	sdelay $0x3  }
0x33: {  	p0 =	seq.s32 s10, $0x1;
	s10 =	sld [smem:$0x3FB4];
	_ =	sdelay $0x3  }
0x34: {  	[smem:$0x3FB4] =	sst s10  }
0x35: {  	s10 =	sld [smem:$0x3FB3];
	_ =	sdelay $0x3  }
0x36: {  	p1 =	seq.s32 s10, $0x1;
	s10 =	sld [smem:$0x3FB4];
	_ =	sdelay $0x3  }
0x37: {  	[smem:$0x3FB4] =	sst s10  }
0x38: {  	s10 =	sld [smem:$0x3FB5]  }
0x39: {  	_ = 	snop;
	(pc) =	sbr.ind lr, $3  }
0x3a: {  	_ = 	snop  }
0x3b: {  	_ = 	snop  }
0x3c: {  	p2 =	seq.s32 s10, $0x1;
	s10 =	sld [smem:$0x3FB4]  }
0x3d: {  	_ =	shalt  }
0x3e: {  	_ =	shalt  }
0x3f: {  	_ =	shalt  }
0x40: {  	_ =	shalt  }
0x41: {  	_ =	shalt  }
0x42: {  	_ =	shalt  }
0x43: {  	_ =	shalt  }
0x44: {  	_ =	shalt  }
0x45: {  	_ =	shalt  }
0x46: {  	_ =	shalt  }
0x47: {  	_ =	shalt  }
0x48: {  	_ =	shalt  }
0x49: {  	_ =	shalt  }
0x4a: {  	_ =	shalt  }
0x4b: {  	_ =	shalt  }
0x4c: {  	_ =	shalt  }
0x4d: {  	_ =	shalt  }
0x4e: {  	_ =	shalt  }
0x4f: {  	_ =	shalt  }
0x50: {  	_ =	shalt  }
0x51: {  	_ =	shalt  }
0x52: {  	_ =	shalt  }
0x53: {  	_ =	shalt  }
0x54: {  	_ =	shalt  }
0x55: {  	_ =	shalt  }
0x56: {  	_ =	shalt  }
0x57: {  	_ =	shalt  }
0x58: {  	_ =	shalt  }
0x59: {  	_ =	shalt  }
0x5a: {  	_ =	shalt  }
0x5b: {  	_ =	shalt  }
0x5c: {  	_ =	shalt  }
0x5d: {  	_ =	shalt  }
0x5e: {  	_ =	shalt  }
0x5f: {  	_ =	shalt  }
0x60: {  	_ =	shalt  }
0x61: {  	_ =	shalt  }
0x62: {  	_ =	shalt  }
0x63: {  	_ =	shalt  }
0x64: {  	_ =	shalt  }
0x65: {  	_ =	shalt  }
0x66: {  	_ =	shalt  }
0x67: {  	_ =	shalt  }
0x68: {  	_ =	shalt  }
0x69: {  	_ =	shalt  }
0x6a: {  	_ =	shalt  }
0x6b: {  	_ =	shalt  }
0x6c: {  	_ =	shalt  }
0x6d: {  	_ =	shalt  }
0x6e: {  	_ =	shalt  }
0x6f: {  	_ =	shalt  }
0x70: {  	_ =	shalt  }
0x71: {  	_ =	shalt  }
0x72: {  	_ =	shalt  }
0x73: {  	_ =	shalt  }
0x74: {  	_ =	shalt  }
0x75: {  	_ =	shalt  }
0x76: {  	_ =	shalt  }
0x77: {  	_ =	shalt  }
0x78: {  	_ =	shalt  }
0x79: {  	_ =	shalt  }
0x7a: {  	_ =	shalt  }
0x7b: {  	_ =	shalt  }
0x7c: {  	_ =	shalt  }
0x7d: {  	_ =	shalt  }
0x7e: {  	_ =	shalt  }
0x7f: {  	_ =	shalt  }
0x80: {  	_ =	shalt  }
0x81: {  	_ =	shalt  }
0x82: {  	_ =	shalt  }
0x83: {  	_ =	shalt  }
0x84: {  	_ =	shalt  }
0x85: {  	_ =	shalt  }
0x86: {  	_ =	shalt  }
0x87: {  	_ =	shalt  }
.Lfunc_end0:
.L_simem_size_0:
called_computation.1_lowered:
.L_overlay_start_0:
0x88: {  	s2 =	sld [smem:$0x3FD9]  }
0x89: {  	s3 =	sld [smem:$0x3FFE];
	_ =	sdelay $0x1  }
0x8a: {  	s1 =	srdreg.scid  }
0x8b: {  	s0 =	sand.u32 $0x1, s1  }
0x8c: {  	s17 =	sshll.u32 s0, $0xA;
	s2 =	sadd.s32 s3, s2  }
0x8d: {  	s2 =	sadd.s32 s2, s17  }
0x8e: {  	[smem:$0x3FC0] =	sst s2  }
0x8f: {  	_ = 	snop  }
0x90: {  	s2 =	sld [smem:$0x3FD0];
	(tm) =	ssettm $0x1  }
0x91: {  	s18 =	sld [smem:$0x3FFB];
	_ =	sdelay $0x3  }
0x92: {  	_ =	strace s18  }
0x93: {  	s3 =	sld [smem:$0x3FFC];
	_ =	sdelay $0x3  }
0x94: {  	_ =	strace s3  }
0x95: {  	s3 =	sld [smem:$0x3FFD];
	_ =	sdelay $0x3  }
0x96: {  	_ =	strace s3  }
0x97: {  	_ =	strace $0x8FFFFFFF  }
0x98: {  	s19 =	sld [smem:$0x3FDB];
	_ =	sdelay $0x1  }
0x99: {  	s4 =	simm.s32 $_scs_section_size  }
0x9a: {  	s5 =	simm.s32 $_size__tile_overlayer_lowered;
	s6 =	simm.s32 $_tile_overlayer_lowered  }
0x9b: {  	s22 =	simm.s32 $0x1BFF;
	s21 =	sshll.u32 s6, $0x1;
	s3 =	sadd.s32 s4, s19  }
0x9c: {  	s7 =	simm.s32 $0x0;
	s20 =	sshll.u32 s5, $0x1;
	s5 =	sadd.s32 s21, s3  }
0x9d: {  	[timem:s7], [sflag:s22] =	dma.local [hbm:s5], s20  }
0x9e: {  	_ =	swait.ge [sflag:s22], s20  }
0x9f: {  	s4 =	ssub.s32 $0x0, s20;
	[sflag:s22] =	ssyncset.done $0x0  }
0xa0: {  	[sflag:s22] =	ssyncadd.s32 s4;
	_ =	sdelay $0x1  }
0xa1: {  	s23 =	simm.s32 $0x1B8B  }
0xa2: {  	_ =	swait.ge [sflag:s23], $0x1  }
0xa3: {  	[sflag:s23] =	ssyncset.done $0x0  }
0xa4: {  	s25 =	simm.s32 $0x1B8E;
	s24 =	sld [smem:$0x3FFE];
	[sflag:s23] =	ssyncadd.s32 $0xFFFFFFFF  }
0xa5: {  	s26 =	simm.s32 $execute0_lowered;
	[smem:$0x3FD2] =	sst s25  }
0xa6: {  	s5 =	sshll.u32 s26, $0x1;
	_ =	strace $0x80000049;
	[dreg:$0x1] =	wrdreg $0xFFFFFFFF  }
0xa7: {  	s28 =	simm.s32 $_size_execute0_lowered;
	s3 =	sadd.s32 s3, s5;
	[dreg:$0x0] =	wrdreg $0x0  }
0xa8: {  	s5 =	sshll.u32 s28, $0x1;
	[dreg:$0x2] =	wrdreg s3  }
0xa9: {  	[dreg:$0x3] =	wrdreg s5  }
0xaa: {  	[dreg:$0x4] =	wrdreg $0xC0  }
0xab: {  	_ =	task [dreg:s7], $0x5FFFF  }
0xac: {  	[dreg:$0x1] =	wrdreg $0xFFFFFFFF  }
0xad: {  	[dreg:$0x0] =	wrdreg $0x60  }
0xae: {  	[dreg:$0x2] =	wrdreg s24  }
0xaf: {  	[dreg:$0x3] =	wrdreg s2  }
0xb0: {  	[dreg:$0x4] =	wrdreg $0x90000  }
0xb1: {  	[dreg:$0x5] =	wrdreg $0x9  }
0xb2: {  	_ =	task.clear_ibuf [dreg:s7], $0x6FFFF;
	_ =	strace $0x90000049  }
0xb3: {  	s29 =	simm.s32 $0x9;
	_ =	strace $0x8000004B  }
0xb4: {  	_ =	swait.ge [sflag:s29], $0x1  }
0xb5: {  	[sflag:s29] =	ssyncadd.s32 $0xFFFFFFFF  }
0xb6: {  	_ =	strace $0x9000004B  }
0xb7: {  	_ =	sfence  }
0xb8: {  	s30 =	sld [smem:$0x0];
	_ =	sdelay $0x2  }
0xb9: {  	s31 =	sshll.u32 s1, $0xD;
	s1 =	sshrl.u32 s1, $0x2  }
0xba: {  	s3 =	sand.u32 $0x4000, s31;
	s1 =	sadd.s32 s1, s30  }
0xbb: {  	s0 =	sor.u32 s3, s0;
	s1 =	sshll.u32 s1, $0x11  }
0xbc: {  	s0 =	sor.u32 s1, s0  }
0xbd: {  	s0 =	sadd.s32 $0x8F2B, s0  }
0xbe: {  	[sflag:s0] =	ssyncadd.remote.s32 $0x1  }
0xbf: {  	_ =	sfence.sel $0xFFFF  }
0xc0: {  	[dreg:$0x0] =	wrdreg $0xFFFFFFFF;
	(pc) =	sbr.abs _section_cstart, $3  }
0xc1: {  	[dreg:$0x1] =	wrdreg $0xFFFFFFFF  }
0xc2: {  	_ =	task.clear_ibuf [dreg:s7], $0x2FFFF;
	_ =	strace $0x9FFFFFFF  }
0xc3: {  	(tm) =	ssettm $0x7FFFFFFF  }
tec
execute0_lowered:
.L_overlay_start_1:
0x0: {  	(tag) =	ssettag $0x1  }
0x1: {  	s7 =	rddreg [dreg:$0x0]  }
0x2: {  	s12 =	rddreg [dreg:$0x1]  }
0x3: {  	s0 =	srdreg.scid;
	s2 =	rddreg [dreg:$0x2]  }
0x4: {  	s3 =	simm.s32 $0x0;
	s16 =	simm.s32 $0x1;
	s17 =	simm.s32 $0x2800  }
0x5: {  	s18 =	simm.s32 $0x80;
	s6 =	sand.u32 $0x1, s0;
	s0 =	stileid.u32  }
0x6: {  	s21 =	simm.s32 $0x0;
	[smem:$0x7FF] =	sst s3;
	s8 =	smul.u32 $0x140000, s6  }
0x7: {  	s4 =	sadd.s32 $0x5DC00, s7;
	s5 =	sadd.s32 $0x3400, s7;
	s9 =	smul.u32 $0x14000, s0  }
0x8: {  	s1 =	sshll.u32 s6, $0x4;
	s10 =	smul.u32 $0x50000, s0;
	s29 =	ssub.s32 $0x2, s6  }
0x9: {  	s19 =	sshll.u32 s0, $0x6;
	s1 =	sor.u32 s0, s1;
	s31 =	sshrl.u32 s29, $0x1  }
0xa: {  	s19 =	sor.u32 $0x1C01, s19;
	s13 =	smul.u32 $0x500, s1;
	s1 =	rddreg [dreg:$0x3]  }
0xb: {  	_ =	strace $0x8000004A;
	s8 =	sadd.s32 s9, s8;
	s30 =	sshrl.u32 s10, $0x2  }
0xc: {  	s15 =	ssub.s32 s29, s31;
	s8 =	sshrl.u32 s8, $0x3;
	s6 =	sadd.s32 s30, s2  }
0xd: {  	s11 =	sadd.s32 s13, s7;
	s14 =	sadd.s32 s8, s7;
	s7 =	sadd.s32 $0x4000, s6  }
0xe: {  	s8 =	sadd.s32 $0x8000, s6;
	s9 =	sadd.s32 $0xC000, s6;
	s10 =	sadd.s32 $0x10000, s6  }
0xf: {  	s12 =	sadd.s32 s12, s13;
	s20 =	sshrl.u32 s6, $0x3;
	s11 =	sadd.s32 $0x53C00, s11  }
0x10: {  	s13 =	sadd.s32 $0x84E00, s14;
	s14 =	smax.u32 s15, $0x1;
	s15 =	simm.s32 $0x5000  }
.LBB2_1:
0x11: {  	[tilespmem:s15], [sflag:$0x1] =	stream.linear.gather [hbm4b:s5+s3], $0x4000, $0x38;
	[tilespmem:$0x1D000] =	vst v63  }
0x12: {  	_ =	swait.ge [sflag:s16], $0x4000  }
0x13: {  	[sflag:s16] =	ssyncset.done $0x0  }
0x14: {  	[sflag:s16] =	ssyncadd.s32 $0xFFFFC000  }
0x15: {  	[spmem:s6] =	stream.linear.scatter [tilespmem:s15], [sflag:$0x1], $0x4000, $0x38;
	[tilespmem:$0x1D000] =	vst v63  }
0x16: {  	_ =	swait.ge [sflag:s16], $0x4000  }
0x17: {  	[sflag:s16] =	ssyncset.done $0x0  }
0x18: {  	[sflag:s16] =	ssyncadd.s32 $0xFFFFC000  }
0x19: {  	[spmem:s7] =	stream.linear.scatter [tilespmem:s15], [sflag:$0x1], $0x4000, $0x38;
	[tilespmem:$0x1D000] =	vst v63  }
0x1a: {  	_ =	swait.ge [sflag:s16], $0x4000  }
0x1b: {  	[sflag:s16] =	ssyncset.done $0x0  }
0x1c: {  	[sflag:s16] =	ssyncadd.s32 $0xFFFFC000  }
0x1d: {  	[spmem:s8] =	stream.linear.scatter [tilespmem:s15], [sflag:$0x1], $0x4000, $0x38;
	[tilespmem:$0x1D000] =	vst v63  }
0x1e: {  	_ =	swait.ge [sflag:s16], $0x4000  }
0x1f: {  	[sflag:s16] =	ssyncset.done $0x0  }
0x20: {  	[sflag:s16] =	ssyncadd.s32 $0xFFFFC000  }
0x21: {  	[spmem:s9] =	stream.linear.scatter [tilespmem:s15], [sflag:$0x1], $0x4000, $0x38;
	[tilespmem:$0x1D000] =	vst v63  }
0x22: {  	_ =	swait.ge [sflag:s16], $0x4000  }
0x23: {  	[sflag:s16] =	ssyncset.done $0x0  }
0x24: {  	[sflag:s16] =	ssyncadd.s32 $0xFFFFC000  }
0x25: {  	[spmem:s10] =	stream.linear.scatter [tilespmem:s15], [sflag:$0x1], $0x4000, $0x38;
	[tilespmem:$0x1D000] =	vst v63  }
0x26: {  	_ =	swait.ge [sflag:s16], $0x4000  }
0x27: {  	[sflag:s16] =	ssyncset.done $0x0  }
0x28: {  	[sflag:s16] =	ssyncadd.s32 $0xFFFFC000  }
0x29: {  	[tilespmem:s3], [sflag:$0x1] =	stream.linear.gather [hbm4b:s11+s3], $0x2780, $0x38;
	[tilespmem:$0x1D000] =	vst v63  }
0x2a: {  	_ =	swait.ge [sflag:s16], $0x2780  }
0x2b: {  	[sflag:s16] =	ssyncset.done $0x0  }
0x2c: {  	[sflag:s16] =	ssyncadd.s32 $0xFFFFD880  }
0x2d: {  	[tilespmem:s17], [sflag:$0x1] =	stream.linear.gather [hbm4b:s12+s3], $0x2780, $0x38;
	[tilespmem:$0x1D000] =	vst v63  }
0x2e: {  	_ =	swait.ge [sflag:s16], $0x2780  }
0x2f: {  	[sflag:s16] =	ssyncset.done $0x0  }
0x30: {  	[sflag:s16] =	ssyncadd.s32 $0xFFFFD880  }
0x31: {  	s22 =	simm.s32 $0x0;
	[bflag:$0x0] =	sbarrier.arrive $0xFFFF  }
0x32: {  	[tilespmem:s15], [sflag:$0x1] =	stream.indirect.gather [hbm4b:s4+s18], $0x80, s22, s18, $0xb8;
	[tilespmem:$0x1D000] =	vst v63  }
0x33: {  	_ =	swait.ge [sflag:s16], $0x4000  }
0x34: {  	[sflag:s16] =	ssyncset.done $0x0  }
0x35: {  	s31 =	simm.s32 $0x2800;
	[sflag:s16] =	ssyncadd.s32 $0xFFFFC000  }
0x36: {  	[spmem:s2] =	stream.indirect.scatter.add.f32 [tilespmem:s15], [sflag:$0x1], $0x80, s31, s18, $0xb8;
	[tilespmem:$0x1D000] =	vst v63  }
0x37: {  	_ =	swait.ge [sflag:s16], $0x4000  }
0x38: {  	s23 =	simm.s32 $0x400;
	s22 =	simm.s32 $0x200;
	[sflag:s16] =	ssyncset.done $0x0  }
.LBB2_2:
0x39: {  	s24 =	sshra.s32 s22, $0x2  }
0x3a: {  	[sflag:s16] =	ssyncadd.s32 $0xFFFFC000;
	s22 =	smov.u32 s23;
	s25 =	sadd.s32 $0x200, s23  }
0x3b: {  	[tilespmem:s15], [sflag:$0x1] =	stream.indirect.gather [hbm4b:s4+s18], $0x80, s24, s18, $0xb8;
	[tilespmem:$0x1D000] =	vst v63  }
0x3c: {  	p0 =	sne.s32 s23, $0x9C00;
	_ =	swait.ge [sflag:s16], $0x4000  }
.Ltmp0:
0x3d: {  	[sflag:s16] =	ssyncset.done $0x0;
	(pc) =	sbr.rel @p0 .LBB2_2-.Ltmp0, $4  }
0x3e: {  	s23 =	sadd.s32 $0x2800, s24;
	[sflag:s16] =	ssyncadd.s32 $0xFFFFC000  }
0x3f: {  	[spmem:s2] =	stream.indirect.scatter.add.f32 [tilespmem:s15], [sflag:$0x1], $0x80, s23, s18, $0xb8;
	[tilespmem:$0x1D000] =	vst v63  }
0x40: {  	_ =	swait.ge [sflag:s16], $0x4000  }
0x41: {  	s23 =	smov.u32 s25;
	[sflag:s16] =	ssyncset.done $0x0  }
0x42: {  	s22 =	sshra.s32 s22, $0x2;
	[sflag:s16] =	ssyncadd.s32 $0xFFFFC000  }
0x43: {  	[tilespmem:s15], [sflag:$0x1] =	stream.indirect.gather [hbm4b:s4+s18], $0x80, s22, s18, $0xb8;
	[tilespmem:$0x1D000] =	vst v63  }
0x44: {  	_ =	swait.ge [sflag:s16], $0x4000  }
0x45: {  	[sflag:s16] =	ssyncset.done $0x0  }
0x46: {  	s22 =	sadd.s32 $0x2800, s22;
	[sflag:s16] =	ssyncadd.s32 $0xFFFFC000  }
0x47: {  	[spmem:s2] =	stream.indirect.scatter.add.f32 [tilespmem:s15], [sflag:$0x1], $0x80, s22, s18, $0xb8;
	[tilespmem:$0x1D000] =	vst v63  }
0x48: {  	_ =	swait.ge [sflag:s16], $0x4000  }
0x49: {  	s21 =	sadd.s32 $0x1, s21;
	[sflag:s16] =	ssyncset.done $0x0  }
0x4a: {  	p0 =	sne.s32 s21, s14;
	[sflag:s16] =	ssyncadd.s32 $0xFFFFC000  }
.Ltmp1:
0x4b: {  	[bflag:$0x0] =	sbarrier.arrive $0xFFFF;
	(pc) =	sbr.rel @p0 .LBB2_1-.Ltmp1, $4  }
0x4c: {  	[hbm:s13], [sflag:s19] =	dma.local [spmem:s20], $0x2800  }
0x4d: {  	_ =	swait.ge [sflag:s16], $0x2800  }
0x4e: {  	[sflag:s16] =	ssyncset.done $0x0  }
0x4f: {  	[sflag:s16] =	ssyncadd.s32 $0xFFFFD800  }
0x50: {  	_ =	sfence.sel $0x180000  }
0x51: {  	[bflag:$0x0] =	sbarrier.arrive $0xFFFF  }
0x52: {  	p0 =	sne.s32 s0, $0x0;
	_ =	strace $0x9000004A  }
0x53: {  	s0 =	sadd.s32 @!p0 $0x100000, s1;
	[bflag:$0x2] =	sbarrier.arrive $0xFFFF  }
0x54: {  	[sflag:s0] =	ssyncadd.tile.s32 @!p0 $0x1;
	_ =	shalt  }
.Lfunc_end2:
_tile_overlayer_lowered:
.L_overlay_start_2:
0x55: {  	(tag) =	ssettag $0x2  }
0x56: {  	s0 =	rddreg [dreg:$0x0];
	s2 =	stileid.u32  }
0x57: {  	s1 =	rddreg [dreg:$0x1];
	p0 =	sne.s32 s2, $0x0  }
0x58: {  	s3 =	rddreg [dreg:$0x2];
	[bflag:$0x3] =	sbarrier.arrive $0xFFFF;
	s2 =	simm.s32 @!p0 $0x1C01  }
0x59: {  	[timem:s3], [sflag:s2] =	dma.local @!p0 [hbm:s0], s1  }
0x5a: {  	s0 =	simm.s32 @!p0 $0x1  }
0x5b: {  	_ =	swait.ge @!p0 [sflag:s0], s1  }
0x5c: {  	s1 =	ssub.s32 @!p0 $0x0, s1;
	[sflag:s0] =	ssyncset.done @!p0 $0x0  }
0x5d: {  	[sflag:s0] =	ssyncadd.s32 @!p0 s1  }
0x5e: {  	[bflag:$0x3] =	sbarrier.arrive $0xFFFF  }
0x5f: {  	_ =	shalt  }

// kernel: kernel.16.cloned.1.call-start
scs
__scs_entry_jumppad:
0x0: {  	(pc) =	sbr.rel $0x88, $3  }
0x1: {  	(tag) =	ssettag $0x0;
	lr =	simm.s32 $0x1  }
0x2: {  	[smem:$0x3F99] =	sst lr;
	_ =	strace $0xD0000000  }
0x3: {  	_ = 	snop  }
0x4: {  	_ = 	snop  }
0x5: {  	_ = 	snop  }
0x6: {  	_ = 	snop  }
0x7: {  	_ = 	snop  }
__scs_overlays_trampoline_lowered:
0x8: {  	[smem:$0x3FA8] =	sst s0  }
0x9: {  	[smem:$0x3FA9] =	sst s1  }
0xa: {  	[smem:$0x3FAA] =	sst s2  }
0xb: {  	[smem:$0x3FAB] =	sst s3  }
0xc: {  	[smem:$0x3FAC] =	sst s4  }
0xd: {  	[smem:$0x3FAD] =	sst s5  }
0xe: {  	[smem:$0x3FAE] =	sst s6  }
0xf: {  	[smem:$0x3FAF] =	sst s7  }
0x10: {  	[smem:$0x3FB0] =	sst s8  }
0x11: {  	[smem:$0x3FB1] =	sst s9;
	s0 =	simm.s32 @!p0 $0x0  }
0x12: {  	s1 =	sld [smem:$0x3F97];
	s0 =	simm.s32 @p0 $0x1  }
0x13: {  	[smem:$0x3FB2] =	sst s0;
	s0 =	simm.s32 @!p1 $0x0  }
0x14: {  	s2 =	sld [smem:$0x3F96];
	s0 =	simm.s32 @p1 $0x1  }
0x15: {  	[smem:$0x3FB3] =	sst s0;
	s0 =	simm.s32 @!p2 $0x0  }
0x16: {  	s3 =	sld [smem:$0x3FDB];
	s0 =	simm.s32 @p2 $0x1  }
0x17: {  	s4 =	simm.s32 $0x1BF5;
	[smem:$0x3FB5] =	sst s0  }
0x18: {  	s0 =	sld [smem:$0x3F98];
	_ =	swait.ge [sflag:s4], $0x0  }
0x19: {  	s7 =	sld [smem:$0x3F99]  }
0x1a: {  	s8 =	sadd.s32 $0xFFFFE003, lr  }
0x1b: {  	s9 =	sadd.s32 $0xFFFFFEF7, lr;
	s5 =	simm.s32 $0xFFFFFFFF;
	p2 =	slt.u32 s8, $0xFFFFF086  }
0x1c: {  	p1 =	slt.u32 s9, $0xF7A;
	s5 =	simm.s32 @!p2 $0x0  }
0x1d: {  	s5 =	simm.s32 @p1 $0x1;
	p0 =	seq.s32 s7, s2  }
0x1e: {  	s7 =	smul.u32 @!p0 $0xF7A, s2;
	p2 =	seq.s32 @!p0 s5, $0x0  }
0x1f: {  	s9 =	smul.u32 $0xF7A, s1;
	s8 =	simm.s32 @!p0 $0x1BF5;
	p2 =	por !p2, p0  }
0x20: {  	[sflag:s8] =	ssyncset.s32 @!p0 $0xFFFFF086;
	s6 =	sadd.s32 @!p0 s3, s7;
	s7 =	simm.s32 @!p0 $0x108  }
0x21: {  	s3 =	sadd.s32 s3, s9;
	s6 =	sadd.s32 @!p0 $0x88, s6;
	s7 =	simm.s32 @p2 $0x1082  }
0x22: {  	[simem:s7], [sflag:s8] =	dma.local @!p0 [hbm:s6], $0xF7A  }
0x23: {  	s9 =	sor.u32 $0xD0000000, s2;
	s6 =	simm.s32 $0x108;
	_ =	swait.ge @!p0 [sflag:s8], $0x0  }
0x24: {  	s3 =	sadd.s32 $0x88, s3;
	s6 =	simm.s32 @!p1 $0x1082;
	[sflag:s4] =	ssyncset.s32 $0xFFFFF086  }
0x25: {  	[simem:s6], [sflag:s4] =	dma.local [hbm:s3], $0xF7A  }
0x26: {  	[smem:$0x3F99] =	sst s1;
	(tag) =	ssettag s2;
	_ =	strace s9  }
0x27: {  	s1 =	sld [smem:$0x3FA9]  }
0x28: {  	s2 =	sld [smem:$0x3FAA]  }
0x29: {  	s4 =	sld [smem:$0x3FAC]  }
0x2a: {  	p0 =	seq.s32 s5, $0x0;
	s5 =	sld [smem:$0x3FAD]  }
0x2b: {  	s6 =	sld [smem:$0x3FAE]  }
0x2c: {  	s7 =	sld [smem:$0x3FAF]  }
0x2d: {  	s3 =	simm.s32 $0x108;
	s8 =	sld [smem:$0x3FB0]  }
0x2e: {  	s3 =	simm.s32 @!p0 $0x1082;
	s9 =	sld [smem:$0x3FB1]  }
0x2f: {  	lr =	sadd.s32 s0, s3;
	s0 =	sld [smem:$0x3FA8]  }
0x30: {  	s3 =	sld [smem:$0x3FAB]  }
0x31: {  	[smem:$0x3FB4] =	sst s10  }
0x32: {  	s10 =	sld [smem:$0x3FB2];
	_ =	sdelay $0x3  }
0x33: {  	p0 =	seq.s32 s10, $0x1;
	s10 =	sld [smem:$0x3FB4];
	_ =	sdelay $0x3  }
0x34: {  	[smem:$0x3FB4] =	sst s10  }
0x35: {  	s10 =	sld [smem:$0x3FB3];
	_ =	sdelay $0x3  }
0x36: {  	p1 =	seq.s32 s10, $0x1;
	s10 =	sld [smem:$0x3FB4];
	_ =	sdelay $0x3  }
0x37: {  	[smem:$0x3FB4] =	sst s10  }
0x38: {  	s10 =	sld [smem:$0x3FB5]  }
0x39: {  	_ = 	snop;
	(pc) =	sbr.ind lr, $3  }
0x3a: {  	_ = 	snop  }
0x3b: {  	_ = 	snop  }
0x3c: {  	p2 =	seq.s32 s10, $0x1;
	s10 =	sld [smem:$0x3FB4]  }
0x3d: {  	_ =	shalt  }
0x3e: {  	_ =	shalt  }
0x3f: {  	_ =	shalt  }
0x40: {  	_ =	shalt  }
0x41: {  	_ =	shalt  }
0x42: {  	_ =	shalt  }
0x43: {  	_ =	shalt  }
0x44: {  	_ =	shalt  }
0x45: {  	_ =	shalt  }
0x46: {  	_ =	shalt  }
0x47: {  	_ =	shalt  }
0x48: {  	_ =	shalt  }
0x49: {  	_ =	shalt  }
0x4a: {  	_ =	shalt  }
0x4b: {  	_ =	shalt  }
0x4c: {  	_ =	shalt  }
0x4d: {  	_ =	shalt  }
0x4e: {  	_ =	shalt  }
0x4f: {  	_ =	shalt  }
0x50: {  	_ =	shalt  }
0x51: {  	_ =	shalt  }
0x52: {  	_ =	shalt  }
0x53: {  	_ =	shalt  }
0x54: {  	_ =	shalt  }
0x55: {  	_ =	shalt  }
0x56: {  	_ =	shalt  }
0x57: {  	_ =	shalt  }
0x58: {  	_ =	shalt  }
0x59: {  	_ =	shalt  }
0x5a: {  	_ =	shalt  }
0x5b: {  	_ =	shalt  }
0x5c: {  	_ =	shalt  }
0x5d: {  	_ =	shalt  }
0x5e: {  	_ =	shalt  }
0x5f: {  	_ =	shalt  }
0x60: {  	_ =	shalt  }
0x61: {  	_ =	shalt  }
0x62: {  	_ =	shalt  }
0x63: {  	_ =	shalt  }
0x64: {  	_ =	shalt  }
0x65: {  	_ =	shalt  }
0x66: {  	_ =	shalt  }
0x67: {  	_ =	shalt  }
0x68: {  	_ =	shalt  }
0x69: {  	_ =	shalt  }
0x6a: {  	_ =	shalt  }
0x6b: {  	_ =	shalt  }
0x6c: {  	_ =	shalt  }
0x6d: {  	_ =	shalt  }
0x6e: {  	_ =	shalt  }
0x6f: {  	_ =	shalt  }
0x70: {  	_ =	shalt  }
0x71: {  	_ =	shalt  }
0x72: {  	_ =	shalt  }
0x73: {  	_ =	shalt  }
0x74: {  	_ =	shalt  }
0x75: {  	_ =	shalt  }
0x76: {  	_ =	shalt  }
0x77: {  	_ =	shalt  }
0x78: {  	_ =	shalt  }
0x79: {  	_ =	shalt  }
0x7a: {  	_ =	shalt  }
0x7b: {  	_ =	shalt  }
0x7c: {  	_ =	shalt  }
0x7d: {  	_ =	shalt  }
0x7e: {  	_ =	shalt  }
0x7f: {  	_ =	shalt  }
0x80: {  	_ =	shalt  }
0x81: {  	_ =	shalt  }
0x82: {  	_ =	shalt  }
0x83: {  	_ =	shalt  }
0x84: {  	_ =	shalt  }
0x85: {  	_ =	shalt  }
0x86: {  	_ =	shalt  }
0x87: {  	_ =	shalt  }
.Lfunc_end0:
.L_simem_size_0:
called_computation.2_lowered:
.L_overlay_start_0:
0x88: {  	s2 =	sld [smem:$0x3FD9]  }
0x89: {  	s3 =	sld [smem:$0x3FFE];
	_ =	sdelay $0x1  }
0x8a: {  	s1 =	srdreg.scid  }
0x8b: {  	s0 =	sand.u32 $0x1, s1  }
0x8c: {  	s17 =	sshll.u32 s0, $0xA;
	s2 =	sadd.s32 s3, s2  }
0x8d: {  	s2 =	sadd.s32 s2, s17  }
0x8e: {  	[smem:$0x3FC0] =	sst s2  }
0x8f: {  	_ = 	snop  }
0x90: {  	s2 =	sld [smem:$0x3FD0];
	(tm) =	ssettm $0x1  }
0x91: {  	s18 =	sld [smem:$0x3FFB];
	_ =	sdelay $0x3  }
0x92: {  	_ =	strace s18  }
0x93: {  	s3 =	sld [smem:$0x3FFC];
	_ =	sdelay $0x3  }
0x94: {  	_ =	strace s3  }
0x95: {  	s3 =	sld [smem:$0x3FFD];
	_ =	sdelay $0x3  }
0x96: {  	_ =	strace s3  }
0x97: {  	_ =	strace $0x8FFFFFFF  }
0x98: {  	s19 =	sld [smem:$0x3FDB];
	_ =	sdelay $0x1  }
0x99: {  	s4 =	simm.s32 $_scs_section_size  }
0x9a: {  	s5 =	simm.s32 $_size__tile_overlayer_lowered;
	s6 =	simm.s32 $_tile_overlayer_lowered  }
0x9b: {  	s22 =	simm.s32 $0x1BFF;
	s21 =	sshll.u32 s6, $0x1;
	s3 =	sadd.s32 s4, s19  }
0x9c: {  	s7 =	simm.s32 $0x0;
	s20 =	sshll.u32 s5, $0x1;
	s5 =	sadd.s32 s21, s3  }
0x9d: {  	[timem:s7], [sflag:s22] =	dma.local [hbm:s5], s20  }
0x9e: {  	_ =	swait.ge [sflag:s22], s20  }
0x9f: {  	s4 =	ssub.s32 $0x0, s20;
	[sflag:s22] =	ssyncset.done $0x0  }
0xa0: {  	[sflag:s22] =	ssyncadd.s32 s4;
	_ =	sdelay $0x1  }
0xa1: {  	s23 =	simm.s32 $0x1B8B  }
0xa2: {  	_ =	swait.ge [sflag:s23], $0x1  }
0xa3: {  	[sflag:s23] =	ssyncset.done $0x0  }
0xa4: {  	s25 =	simm.s32 $0x1B8E;
	s24 =	sld [smem:$0x3FFE];
	[sflag:s23] =	ssyncadd.s32 $0xFFFFFFFF  }
0xa5: {  	s26 =	simm.s32 $execute0_lowered;
	[smem:$0x3FD2] =	sst s25  }
0xa6: {  	s5 =	sshll.u32 s26, $0x1;
	_ =	strace $0x8000004C;
	[dreg:$0x1] =	wrdreg $0xFFFFFFFF  }
0xa7: {  	s28 =	simm.s32 $_size_execute0_lowered;
	s3 =	sadd.s32 s3, s5;
	[dreg:$0x0] =	wrdreg $0x0  }
0xa8: {  	s5 =	sshll.u32 s28, $0x1;
	[dreg:$0x2] =	wrdreg s3  }
0xa9: {  	[dreg:$0x3] =	wrdreg s5  }
0xaa: {  	[dreg:$0x4] =	wrdreg $0xC0  }
0xab: {  	_ =	task [dreg:s7], $0x5FFFF  }
0xac: {  	[dreg:$0x1] =	wrdreg $0xFFFFFFFF  }
0xad: {  	[dreg:$0x0] =	wrdreg $0x60  }
0xae: {  	[dreg:$0x2] =	wrdreg s24  }
0xaf: {  	[dreg:$0x3] =	wrdreg s2  }
0xb0: {  	[dreg:$0x4] =	wrdreg $0x90000  }
0xb1: {  	[dreg:$0x5] =	wrdreg $0x9  }
0xb2: {  	_ =	task.clear_ibuf [dreg:s7], $0x6FFFF;
	_ =	strace $0x9000004C  }
0xb3: {  	s29 =	simm.s32 $0x9;
	_ =	strace $0x8000004E  }
0xb4: {  	_ =	swait.ge [sflag:s29], $0x1  }
0xb5: {  	[sflag:s29] =	ssyncadd.s32 $0xFFFFFFFF  }
0xb6: {  	_ =	strace $0x9000004E  }
0xb7: {  	_ =	sfence  }
0xb8: {  	s30 =	sld [smem:$0x0];
	_ =	sdelay $0x2  }
0xb9: {  	s31 =	sshll.u32 s1, $0xD;
	s1 =	sshrl.u32 s1, $0x2  }
0xba: {  	s3 =	sand.u32 $0x4000, s31;
	s1 =	sadd.s32 s1, s30  }
0xbb: {  	s0 =	sor.u32 s3, s0;
	s1 =	sshll.u32 s1, $0x11  }
0xbc: {  	s0 =	sor.u32 s1, s0  }
0xbd: {  	s0 =	sadd.s32 $0x8F2B, s0  }
0xbe: {  	[sflag:s0] =	ssyncadd.remote.s32 $0x1  }
0xbf: {  	_ =	sfence.sel $0xFFFF  }
0xc0: {  	[dreg:$0x0] =	wrdreg $0xFFFFFFFF;
	(pc) =	sbr.abs _section_cstart, $3  }
0xc1: {  	[dreg:$0x1] =	wrdreg $0xFFFFFFFF  }
0xc2: {  	_ =	task.clear_ibuf [dreg:s7], $0x2FFFF;
	_ =	strace $0x9FFFFFFF  }
0xc3: {  	(tm) =	ssettm $0x7FFFFFFF  }
tec
execute0_lowered:
.L_overlay_start_1:
0x0: {  	(tag) =	ssettag $0x1  }
0x1: {  	s7 =	rddreg [dreg:$0x0]  }
0x2: {  	s12 =	rddreg [dreg:$0x1]  }
0x3: {  	s0 =	srdreg.scid;
	s2 =	rddreg [dreg:$0x2]  }
0x4: {  	s3 =	simm.s32 $0x0;
	s16 =	simm.s32 $0x1;
	s17 =	simm.s32 $0x2800  }
0x5: {  	s18 =	simm.s32 $0x80;
	s6 =	sand.u32 $0x1, s0;
	s0 =	stileid.u32  }
0x6: {  	s21 =	simm.s32 $0x0;
	[smem:$0x7FF] =	sst s3;
	s8 =	smul.u32 $0x140000, s6  }
0x7: {  	s4 =	sadd.s32 $0x5DC00, s7;
	s5 =	sadd.s32 $0x3400, s7;
	s9 =	smul.u32 $0x14000, s0  }
0x8: {  	s1 =	sshll.u32 s6, $0x4;
	s10 =	smul.u32 $0x50000, s0;
	s29 =	ssub.s32 $0x2, s6  }
0x9: {  	s19 =	sshll.u32 s0, $0x6;
	s1 =	sor.u32 s0, s1;
	s31 =	sshrl.u32 s29, $0x1  }
0xa: {  	s19 =	sor.u32 $0x1C01, s19;
	s13 =	smul.u32 $0x500, s1;
	s1 =	rddreg [dreg:$0x3]  }
0xb: {  	_ =	strace $0x8000004D;
	s8 =	sadd.s32 s9, s8;
	s30 =	sshrl.u32 s10, $0x2  }
0xc: {  	s15 =	ssub.s32 s29, s31;
	s8 =	sshrl.u32 s8, $0x3;
	s6 =	sadd.s32 s30, s2  }
0xd: {  	s11 =	sadd.s32 s13, s7;
	s14 =	sadd.s32 s8, s7;
	s7 =	sadd.s32 $0x4000, s6  }
0xe: {  	s8 =	sadd.s32 $0x8000, s6;
	s9 =	sadd.s32 $0xC000, s6;
	s10 =	sadd.s32 $0x10000, s6  }
0xf: {  	s12 =	sadd.s32 s12, s13;
	s20 =	sshrl.u32 s6, $0x3;
	s11 =	sadd.s32 $0x53C00, s11  }
0x10: {  	s13 =	sadd.s32 $0x84E00, s14;
	s14 =	smax.u32 s15, $0x1;
	s15 =	simm.s32 $0x5000  }
.LBB2_1:
0x11: {  	[tilespmem:s15], [sflag:$0x1] =	stream.linear.gather [hbm4b:s5+s3], $0x4000, $0x38;
	[tilespmem:$0x1D000] =	vst v63  }
0x12: {  	_ =	swait.ge [sflag:s16], $0x4000  }
0x13: {  	[sflag:s16] =	ssyncset.done $0x0  }
0x14: {  	[sflag:s16] =	ssyncadd.s32 $0xFFFFC000  }
0x15: {  	[spmem:s6] =	stream.linear.scatter [tilespmem:s15], [sflag:$0x1], $0x4000, $0x38;
	[tilespmem:$0x1D000] =	vst v63  }
0x16: {  	_ =	swait.ge [sflag:s16], $0x4000  }
0x17: {  	[sflag:s16] =	ssyncset.done $0x0  }
0x18: {  	[sflag:s16] =	ssyncadd.s32 $0xFFFFC000  }
0x19: {  	[spmem:s7] =	stream.linear.scatter [tilespmem:s15], [sflag:$0x1], $0x4000, $0x38;
	[tilespmem:$0x1D000] =	vst v63  }
0x1a: {  	_ =	swait.ge [sflag:s16], $0x4000  }
0x1b: {  	[sflag:s16] =	ssyncset.done $0x0  }
0x1c: {  	[sflag:s16] =	ssyncadd.s32 $0xFFFFC000  }
0x1d: {  	[spmem:s8] =	stream.linear.scatter [tilespmem:s15], [sflag:$0x1], $0x4000, $0x38;
	[tilespmem:$0x1D000] =	vst v63  }
0x1e: {  	_ =	swait.ge [sflag:s16], $0x4000  }
0x1f: {  	[sflag:s16] =	ssyncset.done $0x0  }
0x20: {  	[sflag:s16] =	ssyncadd.s32 $0xFFFFC000  }
0x21: {  	[spmem:s9] =	stream.linear.scatter [tilespmem:s15], [sflag:$0x1], $0x4000, $0x38;
	[tilespmem:$0x1D000] =	vst v63  }
0x22: {  	_ =	swait.ge [sflag:s16], $0x4000  }
0x23: {  	[sflag:s16] =	ssyncset.done $0x0  }
0x24: {  	[sflag:s16] =	ssyncadd.s32 $0xFFFFC000  }
0x25: {  	[spmem:s10] =	stream.linear.scatter [tilespmem:s15], [sflag:$0x1], $0x4000, $0x38;
	[tilespmem:$0x1D000] =	vst v63  }
0x26: {  	_ =	swait.ge [sflag:s16], $0x4000  }
0x27: {  	[sflag:s16] =	ssyncset.done $0x0  }
0x28: {  	[sflag:s16] =	ssyncadd.s32 $0xFFFFC000  }
0x29: {  	[tilespmem:s3], [sflag:$0x1] =	stream.linear.gather [hbm4b:s11+s3], $0x2780, $0x38;
	[tilespmem:$0x1D000] =	vst v63  }
0x2a: {  	_ =	swait.ge [sflag:s16], $0x2780  }
0x2b: {  	[sflag:s16] =	ssyncset.done $0x0  }
0x2c: {  	[sflag:s16] =	ssyncadd.s32 $0xFFFFD880  }
0x2d: {  	[tilespmem:s17], [sflag:$0x1] =	stream.linear.gather [hbm4b:s12+s3], $0x2780, $0x38;
	[tilespmem:$0x1D000] =	vst v63  }
0x2e: {  	_ =	swait.ge [sflag:s16], $0x2780  }
0x2f: {  	[sflag:s16] =	ssyncset.done $0x0  }
0x30: {  	[sflag:s16] =	ssyncadd.s32 $0xFFFFD880  }
0x31: {  	s22 =	simm.s32 $0x0;
	[bflag:$0x0] =	sbarrier.arrive $0xFFFF  }
0x32: {  	[tilespmem:s15], [sflag:$0x1] =	stream.indirect.gather [hbm4b:s4+s18], $0x80, s22, s18, $0xb8;
	[tilespmem:$0x1D000] =	vst v63  }
0x33: {  	_ =	swait.ge [sflag:s16], $0x4000  }
0x34: {  	[sflag:s16] =	ssyncset.done $0x0  }
0x35: {  	s31 =	simm.s32 $0x2800;
	[sflag:s16] =	ssyncadd.s32 $0xFFFFC000  }
0x36: {  	[spmem:s2] =	stream.indirect.scatter.add.f32 [tilespmem:s15], [sflag:$0x1], $0x80, s31, s18, $0xb8;
	[tilespmem:$0x1D000] =	vst v63  }
0x37: {  	_ =	swait.ge [sflag:s16], $0x4000  }
0x38: {  	s23 =	simm.s32 $0x400;
	s22 =	simm.s32 $0x200;
	[sflag:s16] =	ssyncset.done $0x0  }
.LBB2_2:
0x39: {  	s24 =	sshra.s32 s22, $0x2  }
0x3a: {  	[sflag:s16] =	ssyncadd.s32 $0xFFFFC000;
	s22 =	smov.u32 s23;
	s25 =	sadd.s32 $0x200, s23  }
0x3b: {  	[tilespmem:s15], [sflag:$0x1] =	stream.indirect.gather [hbm4b:s4+s18], $0x80, s24, s18, $0xb8;
	[tilespmem:$0x1D000] =	vst v63  }
0x3c: {  	p0 =	sne.s32 s23, $0x9C00;
	_ =	swait.ge [sflag:s16], $0x4000  }
.Ltmp0:
0x3d: {  	[sflag:s16] =	ssyncset.done $0x0;
	(pc) =	sbr.rel @p0 .LBB2_2-.Ltmp0, $4  }
0x3e: {  	s23 =	sadd.s32 $0x2800, s24;
	[sflag:s16] =	ssyncadd.s32 $0xFFFFC000  }
0x3f: {  	[spmem:s2] =	stream.indirect.scatter.add.f32 [tilespmem:s15], [sflag:$0x1], $0x80, s23, s18, $0xb8;
	[tilespmem:$0x1D000] =	vst v63  }
0x40: {  	_ =	swait.ge [sflag:s16], $0x4000  }
0x41: {  	s23 =	smov.u32 s25;
	[sflag:s16] =	ssyncset.done $0x0  }
0x42: {  	s22 =	sshra.s32 s22, $0x2;
	[sflag:s16] =	ssyncadd.s32 $0xFFFFC000  }
0x43: {  	[tilespmem:s15], [sflag:$0x1] =	stream.indirect.gather [hbm4b:s4+s18], $0x80, s22, s18, $0xb8;
	[tilespmem:$0x1D000] =	vst v63  }
0x44: {  	_ =	swait.ge [sflag:s16], $0x4000  }
0x45: {  	[sflag:s16] =	ssyncset.done $0x0  }
0x46: {  	s22 =	sadd.s32 $0x2800, s22;
	[sflag:s16] =	ssyncadd.s32 $0xFFFFC000  }
0x47: {  	[spmem:s2] =	stream.indirect.scatter.add.f32 [tilespmem:s15], [sflag:$0x1], $0x80, s22, s18, $0xb8;
	[tilespmem:$0x1D000] =	vst v63  }
0x48: {  	_ =	swait.ge [sflag:s16], $0x4000  }
0x49: {  	s21 =	sadd.s32 $0x1, s21;
	[sflag:s16] =	ssyncset.done $0x0  }
0x4a: {  	p0 =	sne.s32 s21, s14;
	[sflag:s16] =	ssyncadd.s32 $0xFFFFC000  }
.Ltmp1:
0x4b: {  	[bflag:$0x0] =	sbarrier.arrive $0xFFFF;
	(pc) =	sbr.rel @p0 .LBB2_1-.Ltmp1, $4  }
0x4c: {  	[hbm:s13], [sflag:s19] =	dma.local [spmem:s20], $0x2800  }
0x4d: {  	_ =	swait.ge [sflag:s16], $0x2800  }
0x4e: {  	[sflag:s16] =	ssyncset.done $0x0  }
0x4f: {  	[sflag:s16] =	ssyncadd.s32 $0xFFFFD800  }
0x50: {  	_ =	sfence.sel $0x180000  }
0x51: {  	[bflag:$0x0] =	sbarrier.arrive $0xFFFF  }
0x52: {  	p0 =	sne.s32 s0, $0x0;
	_ =	strace $0x9000004D  }
0x53: {  	s0 =	sadd.s32 @!p0 $0x100000, s1;
	[bflag:$0x2] =	sbarrier.arrive $0xFFFF  }
0x54: {  	[sflag:s0] =	ssyncadd.tile.s32 @!p0 $0x1;
	_ =	shalt  }
.Lfunc_end2:
_tile_overlayer_lowered:
.L_overlay_start_2:
0x55: {  	(tag) =	ssettag $0x2  }
0x56: {  	s0 =	rddreg [dreg:$0x0];
	s2 =	stileid.u32  }
0x57: {  	s1 =	rddreg [dreg:$0x1];
	p0 =	sne.s32 s2, $0x0  }
0x58: {  	s3 =	rddreg [dreg:$0x2];
	[bflag:$0x3] =	sbarrier.arrive $0xFFFF;
	s2 =	simm.s32 @!p0 $0x1C01  }
0x59: {  	[timem:s3], [sflag:s2] =	dma.local @!p0 [hbm:s0], s1  }
0x5a: {  	s0 =	simm.s32 @!p0 $0x1  }
0x5b: {  	_ =	swait.ge @!p0 [sflag:s0], s1  }
0x5c: {  	s1 =	ssub.s32 @!p0 $0x0, s1;
	[sflag:s0] =	ssyncset.done @!p0 $0x0  }
0x5d: {  	[sflag:s0] =	ssyncadd.s32 @!p0 s1  }
0x5e: {  	[bflag:$0x3] =	sbarrier.arrive $0xFFFF  }
0x5f: {  	_ =	shalt  }

// kernel: kernel.19.cloned.1.call-start
scs
__scs_entry_jumppad:
0x0: {  	(pc) =	sbr.rel $0x88, $3  }
0x1: {  	(tag) =	ssettag $0x0;
	lr =	simm.s32 $0x1  }
0x2: {  	[smem:$0x3F99] =	sst lr;
	_ =	strace $0xD0000000  }
0x3: {  	_ = 	snop  }
0x4: {  	_ = 	snop  }
0x5: {  	_ = 	snop  }
0x6: {  	_ = 	snop  }
0x7: {  	_ = 	snop  }
__scs_overlays_trampoline_lowered:
0x8: {  	[smem:$0x3FA8] =	sst s0  }
0x9: {  	[smem:$0x3FA9] =	sst s1  }
0xa: {  	[smem:$0x3FAA] =	sst s2  }
0xb: {  	[smem:$0x3FAB] =	sst s3  }
0xc: {  	[smem:$0x3FAC] =	sst s4  }
0xd: {  	[smem:$0x3FAD] =	sst s5  }
0xe: {  	[smem:$0x3FAE] =	sst s6  }
0xf: {  	[smem:$0x3FAF] =	sst s7  }
0x10: {  	[smem:$0x3FB0] =	sst s8  }
0x11: {  	[smem:$0x3FB1] =	sst s9;
	s0 =	simm.s32 @!p0 $0x0  }
0x12: {  	s1 =	sld [smem:$0x3F97];
	s0 =	simm.s32 @p0 $0x1  }
0x13: {  	[smem:$0x3FB2] =	sst s0;
	s0 =	simm.s32 @!p1 $0x0  }
0x14: {  	s2 =	sld [smem:$0x3F96];
	s0 =	simm.s32 @p1 $0x1  }
0x15: {  	[smem:$0x3FB3] =	sst s0;
	s0 =	simm.s32 @!p2 $0x0  }
0x16: {  	s3 =	sld [smem:$0x3FDB];
	s0 =	simm.s32 @p2 $0x1  }
0x17: {  	s4 =	simm.s32 $0x1BF5;
	[smem:$0x3FB5] =	sst s0  }
0x18: {  	s0 =	sld [smem:$0x3F98];
	_ =	swait.ge [sflag:s4], $0x0  }
0x19: {  	s7 =	sld [smem:$0x3F99]  }
0x1a: {  	s8 =	sadd.s32 $0xFFFFE003, lr  }
0x1b: {  	s9 =	sadd.s32 $0xFFFFFEF7, lr;
	s5 =	simm.s32 $0xFFFFFFFF;
	p2 =	slt.u32 s8, $0xFFFFF086  }
0x1c: {  	p1 =	slt.u32 s9, $0xF7A;
	s5 =	simm.s32 @!p2 $0x0  }
0x1d: {  	s5 =	simm.s32 @p1 $0x1;
	p0 =	seq.s32 s7, s2  }
0x1e: {  	s7 =	smul.u32 @!p0 $0xF7A, s2;
	p2 =	seq.s32 @!p0 s5, $0x0  }
0x1f: {  	s9 =	smul.u32 $0xF7A, s1;
	s8 =	simm.s32 @!p0 $0x1BF5;
	p2 =	por !p2, p0  }
0x20: {  	[sflag:s8] =	ssyncset.s32 @!p0 $0xFFFFF086;
	s6 =	sadd.s32 @!p0 s3, s7;
	s7 =	simm.s32 @!p0 $0x108  }
0x21: {  	s3 =	sadd.s32 s3, s9;
	s6 =	sadd.s32 @!p0 $0x88, s6;
	s7 =	simm.s32 @p2 $0x1082  }
0x22: {  	[simem:s7], [sflag:s8] =	dma.local @!p0 [hbm:s6], $0xF7A  }
0x23: {  	s9 =	sor.u32 $0xD0000000, s2;
	s6 =	simm.s32 $0x108;
	_ =	swait.ge @!p0 [sflag:s8], $0x0  }
0x24: {  	s3 =	sadd.s32 $0x88, s3;
	s6 =	simm.s32 @!p1 $0x1082;
	[sflag:s4] =	ssyncset.s32 $0xFFFFF086  }
0x25: {  	[simem:s6], [sflag:s4] =	dma.local [hbm:s3], $0xF7A  }
0x26: {  	[smem:$0x3F99] =	sst s1;
	(tag) =	ssettag s2;
	_ =	strace s9  }
0x27: {  	s1 =	sld [smem:$0x3FA9]  }
0x28: {  	s2 =	sld [smem:$0x3FAA]  }
0x29: {  	s4 =	sld [smem:$0x3FAC]  }
0x2a: {  	p0 =	seq.s32 s5, $0x0;
	s5 =	sld [smem:$0x3FAD]  }
0x2b: {  	s6 =	sld [smem:$0x3FAE]  }
0x2c: {  	s7 =	sld [smem:$0x3FAF]  }
0x2d: {  	s3 =	simm.s32 $0x108;
	s8 =	sld [smem:$0x3FB0]  }
0x2e: {  	s3 =	simm.s32 @!p0 $0x1082;
	s9 =	sld [smem:$0x3FB1]  }
0x2f: {  	lr =	sadd.s32 s0, s3;
	s0 =	sld [smem:$0x3FA8]  }
0x30: {  	s3 =	sld [smem:$0x3FAB]  }
0x31: {  	[smem:$0x3FB4] =	sst s10  }
0x32: {  	s10 =	sld [smem:$0x3FB2];
	_ =	sdelay $0x3  }
0x33: {  	p0 =	seq.s32 s10, $0x1;
	s10 =	sld [smem:$0x3FB4];
	_ =	sdelay $0x3  }
0x34: {  	[smem:$0x3FB4] =	sst s10  }
0x35: {  	s10 =	sld [smem:$0x3FB3];
	_ =	sdelay $0x3  }
0x36: {  	p1 =	seq.s32 s10, $0x1;
	s10 =	sld [smem:$0x3FB4];
	_ =	sdelay $0x3  }
0x37: {  	[smem:$0x3FB4] =	sst s10  }
0x38: {  	s10 =	sld [smem:$0x3FB5]  }
0x39: {  	_ = 	snop;
	(pc) =	sbr.ind lr, $3  }
0x3a: {  	_ = 	snop  }
0x3b: {  	_ = 	snop  }
0x3c: {  	p2 =	seq.s32 s10, $0x1;
	s10 =	sld [smem:$0x3FB4]  }
0x3d: {  	_ =	shalt  }
0x3e: {  	_ =	shalt  }
0x3f: {  	_ =	shalt  }
0x40: {  	_ =	shalt  }
0x41: {  	_ =	shalt  }
0x42: {  	_ =	shalt  }
0x43: {  	_ =	shalt  }
0x44: {  	_ =	shalt  }
0x45: {  	_ =	shalt  }
0x46: {  	_ =	shalt  }
0x47: {  	_ =	shalt  }
0x48: {  	_ =	shalt  }
0x49: {  	_ =	shalt  }
0x4a: {  	_ =	shalt  }
0x4b: {  	_ =	shalt  }
0x4c: {  	_ =	shalt  }
0x4d: {  	_ =	shalt  }
0x4e: {  	_ =	shalt  }
0x4f: {  	_ =	shalt  }
0x50: {  	_ =	shalt  }
0x51: {  	_ =	shalt  }
0x52: {  	_ =	shalt  }
0x53: {  	_ =	shalt  }
0x54: {  	_ =	shalt  }
0x55: {  	_ =	shalt  }
0x56: {  	_ =	shalt  }
0x57: {  	_ =	shalt  }
0x58: {  	_ =	shalt  }
0x59: {  	_ =	shalt  }
0x5a: {  	_ =	shalt  }
0x5b: {  	_ =	shalt  }
0x5c: {  	_ =	shalt  }
0x5d: {  	_ =	shalt  }
0x5e: {  	_ =	shalt  }
0x5f: {  	_ =	shalt  }
0x60: {  	_ =	shalt  }
0x61: {  	_ =	shalt  }
0x62: {  	_ =	shalt  }
0x63: {  	_ =	shalt  }
0x64: {  	_ =	shalt  }
0x65: {  	_ =	shalt  }
0x66: {  	_ =	shalt  }
0x67: {  	_ =	shalt  }
0x68: {  	_ =	shalt  }
0x69: {  	_ =	shalt  }
0x6a: {  	_ =	shalt  }
0x6b: {  	_ =	shalt  }
0x6c: {  	_ =	shalt  }
0x6d: {  	_ =	shalt  }
0x6e: {  	_ =	shalt  }
0x6f: {  	_ =	shalt  }
0x70: {  	_ =	shalt  }
0x71: {  	_ =	shalt  }
0x72: {  	_ =	shalt  }
0x73: {  	_ =	shalt  }
0x74: {  	_ =	shalt  }
0x75: {  	_ =	shalt  }
0x76: {  	_ =	shalt  }
0x77: {  	_ =	shalt  }
0x78: {  	_ =	shalt  }
0x79: {  	_ =	shalt  }
0x7a: {  	_ =	shalt  }
0x7b: {  	_ =	shalt  }
0x7c: {  	_ =	shalt  }
0x7d: {  	_ =	shalt  }
0x7e: {  	_ =	shalt  }
0x7f: {  	_ =	shalt  }
0x80: {  	_ =	shalt  }
0x81: {  	_ =	shalt  }
0x82: {  	_ =	shalt  }
0x83: {  	_ =	shalt  }
0x84: {  	_ =	shalt  }
0x85: {  	_ =	shalt  }
0x86: {  	_ =	shalt  }
0x87: {  	_ =	shalt  }
.Lfunc_end0:
.L_simem_size_0:
called_computation.3_lowered:
.L_overlay_start_0:
0x88: {  	s2 =	sld [smem:$0x3FD9]  }
0x89: {  	s3 =	sld [smem:$0x3FFE];
	_ =	sdelay $0x1  }
0x8a: {  	s1 =	srdreg.scid  }
0x8b: {  	s0 =	sand.u32 $0x1, s1  }
0x8c: {  	s17 =	sshll.u32 s0, $0xA;
	s2 =	sadd.s32 s3, s2  }
0x8d: {  	s2 =	sadd.s32 s2, s17  }
0x8e: {  	[smem:$0x3FC0] =	sst s2  }
0x8f: {  	_ = 	snop  }
0x90: {  	s2 =	sld [smem:$0x3FD0];
	(tm) =	ssettm $0x1  }
0x91: {  	s18 =	sld [smem:$0x3FFB];
	_ =	sdelay $0x3  }
0x92: {  	_ =	strace s18  }
0x93: {  	s3 =	sld [smem:$0x3FFC];
	_ =	sdelay $0x3  }
0x94: {  	_ =	strace s3  }
0x95: {  	s3 =	sld [smem:$0x3FFD];
	_ =	sdelay $0x3  }
0x96: {  	_ =	strace s3  }
0x97: {  	_ =	strace $0x8FFFFFFF  }
0x98: {  	s19 =	sld [smem:$0x3FDB];
	_ =	sdelay $0x1  }
0x99: {  	s4 =	simm.s32 $_scs_section_size  }
0x9a: {  	s5 =	simm.s32 $_size__tile_overlayer_lowered;
	s6 =	simm.s32 $_tile_overlayer_lowered  }
0x9b: {  	s22 =	simm.s32 $0x1BFF;
	s21 =	sshll.u32 s6, $0x1;
	s3 =	sadd.s32 s4, s19  }
0x9c: {  	s7 =	simm.s32 $0x0;
	s20 =	sshll.u32 s5, $0x1;
	s5 =	sadd.s32 s21, s3  }
0x9d: {  	[timem:s7], [sflag:s22] =	dma.local [hbm:s5], s20  }
0x9e: {  	_ =	swait.ge [sflag:s22], s20  }
0x9f: {  	s4 =	ssub.s32 $0x0, s20;
	[sflag:s22] =	ssyncset.done $0x0  }
0xa0: {  	[sflag:s22] =	ssyncadd.s32 s4;
	_ =	sdelay $0x1  }
0xa1: {  	s23 =	simm.s32 $0x1B8B  }
0xa2: {  	_ =	swait.ge [sflag:s23], $0x1  }
0xa3: {  	[sflag:s23] =	ssyncset.done $0x0  }
0xa4: {  	s25 =	simm.s32 $0x1B8E;
	s24 =	sld [smem:$0x3FFE];
	[sflag:s23] =	ssyncadd.s32 $0xFFFFFFFF  }
0xa5: {  	s26 =	simm.s32 $execute0_lowered;
	[smem:$0x3FD2] =	sst s25  }
0xa6: {  	s5 =	sshll.u32 s26, $0x1;
	_ =	strace $0x8000004F;
	[dreg:$0x1] =	wrdreg $0xFFFFFFFF  }
0xa7: {  	s28 =	simm.s32 $_size_execute0_lowered;
	s3 =	sadd.s32 s3, s5;
	[dreg:$0x0] =	wrdreg $0x0  }
0xa8: {  	s5 =	sshll.u32 s28, $0x1;
	[dreg:$0x2] =	wrdreg s3  }
0xa9: {  	[dreg:$0x3] =	wrdreg s5  }
0xaa: {  	[dreg:$0x4] =	wrdreg $0xC0  }
0xab: {  	_ =	task [dreg:s7], $0x5FFFF  }
0xac: {  	[dreg:$0x1] =	wrdreg $0xFFFFFFFF  }
0xad: {  	[dreg:$0x0] =	wrdreg $0x60  }
0xae: {  	[dreg:$0x2] =	wrdreg s24  }
0xaf: {  	[dreg:$0x3] =	wrdreg s2  }
0xb0: {  	[dreg:$0x4] =	wrdreg $0x90000  }
0xb1: {  	[dreg:$0x5] =	wrdreg $0x9  }
0xb2: {  	_ =	task.clear_ibuf [dreg:s7], $0x6FFFF;
	_ =	strace $0x9000004F  }
0xb3: {  	s29 =	simm.s32 $0x9;
	_ =	strace $0x80000051  }
0xb4: {  	_ =	swait.ge [sflag:s29], $0x1  }
0xb5: {  	[sflag:s29] =	ssyncadd.s32 $0xFFFFFFFF  }
0xb6: {  	_ =	strace $0x90000051  }
0xb7: {  	_ =	sfence  }
0xb8: {  	s30 =	sld [smem:$0x0];
	_ =	sdelay $0x2  }
0xb9: {  	s31 =	sshll.u32 s1, $0xD;
	s1 =	sshrl.u32 s1, $0x2  }
0xba: {  	s3 =	sand.u32 $0x4000, s31;
	s1 =	sadd.s32 s1, s30  }
0xbb: {  	s0 =	sor.u32 s3, s0;
	s1 =	sshll.u32 s1, $0x11  }
0xbc: {  	s0 =	sor.u32 s1, s0  }
0xbd: {  	s0 =	sadd.s32 $0x8F2B, s0  }
0xbe: {  	[sflag:s0] =	ssyncadd.remote.s32 $0x1  }
0xbf: {  	_ =	sfence.sel $0xFFFF  }
0xc0: {  	[dreg:$0x0] =	wrdreg $0xFFFFFFFF;
	(pc) =	sbr.abs _section_cstart, $3  }
0xc1: {  	[dreg:$0x1] =	wrdreg $0xFFFFFFFF  }
0xc2: {  	_ =	task.clear_ibuf [dreg:s7], $0x2FFFF;
	_ =	strace $0x9FFFFFFF  }
0xc3: {  	(tm) =	ssettm $0x7FFFFFFF  }
tec
execute0_lowered:
.L_overlay_start_1:
0x0: {  	(tag) =	ssettag $0x1  }
0x1: {  	s7 =	rddreg [dreg:$0x0]  }
0x2: {  	s12 =	rddreg [dreg:$0x1]  }
0x3: {  	s0 =	srdreg.scid;
	s2 =	rddreg [dreg:$0x2]  }
0x4: {  	s3 =	simm.s32 $0x0;
	s16 =	simm.s32 $0x1;
	s17 =	simm.s32 $0x2800  }
0x5: {  	s18 =	simm.s32 $0x80;
	s6 =	sand.u32 $0x1, s0;
	s0 =	stileid.u32  }
0x6: {  	s21 =	simm.s32 $0x0;
	[smem:$0x7FF] =	sst s3;
	s8 =	smul.u32 $0x140000, s6  }
0x7: {  	s4 =	sadd.s32 $0x5DC00, s7;
	s5 =	sadd.s32 $0x3400, s7;
	s9 =	smul.u32 $0x14000, s0  }
0x8: {  	s1 =	sshll.u32 s6, $0x4;
	s10 =	smul.u32 $0x50000, s0;
	s29 =	ssub.s32 $0x2, s6  }
0x9: {  	s19 =	sshll.u32 s0, $0x6;
	s1 =	sor.u32 s0, s1;
	s31 =	sshrl.u32 s29, $0x1  }
0xa: {  	s19 =	sor.u32 $0x1C01, s19;
	s13 =	smul.u32 $0x500, s1;
	s1 =	rddreg [dreg:$0x3]  }
0xb: {  	_ =	strace $0x80000050;
	s8 =	sadd.s32 s9, s8;
	s30 =	sshrl.u32 s10, $0x2  }
0xc: {  	s15 =	ssub.s32 s29, s31;
	s8 =	sshrl.u32 s8, $0x3;
	s6 =	sadd.s32 s30, s2  }
0xd: {  	s11 =	sadd.s32 s13, s7;
	s14 =	sadd.s32 s8, s7;
	s7 =	sadd.s32 $0x4000, s6  }
0xe: {  	s8 =	sadd.s32 $0x8000, s6;
	s9 =	sadd.s32 $0xC000, s6;
	s10 =	sadd.s32 $0x10000, s6  }
0xf: {  	s12 =	sadd.s32 s12, s13;
	s20 =	sshrl.u32 s6, $0x3;
	s11 =	sadd.s32 $0x53C00, s11  }
0x10: {  	s13 =	sadd.s32 $0x84E00, s14;
	s14 =	smax.u32 s15, $0x1;
	s15 =	simm.s32 $0x5000  }
.LBB2_1:
0x11: {  	[tilespmem:s15], [sflag:$0x1] =	stream.linear.gather [hbm4b:s5+s3], $0x4000, $0x38;
	[tilespmem:$0x1D000] =	vst v63  }
0x12: {  	_ =	swait.ge [sflag:s16], $0x4000  }
0x13: {  	[sflag:s16] =	ssyncset.done $0x0  }
0x14: {  	[sflag:s16] =	ssyncadd.s32 $0xFFFFC000  }
0x15: {  	[spmem:s6] =	stream.linear.scatter [tilespmem:s15], [sflag:$0x1], $0x4000, $0x38;
	[tilespmem:$0x1D000] =	vst v63  }
0x16: {  	_ =	swait.ge [sflag:s16], $0x4000  }
0x17: {  	[sflag:s16] =	ssyncset.done $0x0  }
0x18: {  	[sflag:s16] =	ssyncadd.s32 $0xFFFFC000  }
0x19: {  	[spmem:s7] =	stream.linear.scatter [tilespmem:s15], [sflag:$0x1], $0x4000, $0x38;
	[tilespmem:$0x1D000] =	vst v63  }
0x1a: {  	_ =	swait.ge [sflag:s16], $0x4000  }
0x1b: {  	[sflag:s16] =	ssyncset.done $0x0  }
0x1c: {  	[sflag:s16] =	ssyncadd.s32 $0xFFFFC000  }
0x1d: {  	[spmem:s8] =	stream.linear.scatter [tilespmem:s15], [sflag:$0x1], $0x4000, $0x38;
	[tilespmem:$0x1D000] =	vst v63  }
0x1e: {  	_ =	swait.ge [sflag:s16], $0x4000  }
0x1f: {  	[sflag:s16] =	ssyncset.done $0x0  }
0x20: {  	[sflag:s16] =	ssyncadd.s32 $0xFFFFC000  }
0x21: {  	[spmem:s9] =	stream.linear.scatter [tilespmem:s15], [sflag:$0x1], $0x4000, $0x38;
	[tilespmem:$0x1D000] =	vst v63  }
0x22: {  	_ =	swait.ge [sflag:s16], $0x4000  }
0x23: {  	[sflag:s16] =	ssyncset.done $0x0  }
0x24: {  	[sflag:s16] =	ssyncadd.s32 $0xFFFFC000  }
0x25: {  	[spmem:s10] =	stream.linear.scatter [tilespmem:s15], [sflag:$0x1], $0x4000, $0x38;
	[tilespmem:$0x1D000] =	vst v63  }
0x26: {  	_ =	swait.ge [sflag:s16], $0x4000  }
0x27: {  	[sflag:s16] =	ssyncset.done $0x0  }
0x28: {  	[sflag:s16] =	ssyncadd.s32 $0xFFFFC000  }
0x29: {  	[tilespmem:s3], [sflag:$0x1] =	stream.linear.gather [hbm4b:s11+s3], $0x2780, $0x38;
	[tilespmem:$0x1D000] =	vst v63  }
0x2a: {  	_ =	swait.ge [sflag:s16], $0x2780  }
0x2b: {  	[sflag:s16] =	ssyncset.done $0x0  }
0x2c: {  	[sflag:s16] =	ssyncadd.s32 $0xFFFFD880  }
0x2d: {  	[tilespmem:s17], [sflag:$0x1] =	stream.linear.gather [hbm4b:s12+s3], $0x2780, $0x38;
	[tilespmem:$0x1D000] =	vst v63  }
0x2e: {  	_ =	swait.ge [sflag:s16], $0x2780  }
0x2f: {  	[sflag:s16] =	ssyncset.done $0x0  }
0x30: {  	[sflag:s16] =	ssyncadd.s32 $0xFFFFD880  }
0x31: {  	s22 =	simm.s32 $0x0;
	[bflag:$0x0] =	sbarrier.arrive $0xFFFF  }
0x32: {  	[tilespmem:s15], [sflag:$0x1] =	stream.indirect.gather [hbm4b:s4+s18], $0x80, s22, s18, $0xb8;
	[tilespmem:$0x1D000] =	vst v63  }
0x33: {  	_ =	swait.ge [sflag:s16], $0x4000  }
0x34: {  	[sflag:s16] =	ssyncset.done $0x0  }
0x35: {  	s31 =	simm.s32 $0x2800;
	[sflag:s16] =	ssyncadd.s32 $0xFFFFC000  }
0x36: {  	[spmem:s2] =	stream.indirect.scatter.add.f32 [tilespmem:s15], [sflag:$0x1], $0x80, s31, s18, $0xb8;
	[tilespmem:$0x1D000] =	vst v63  }
0x37: {  	_ =	swait.ge [sflag:s16], $0x4000  }
0x38: {  	s23 =	simm.s32 $0x400;
	s22 =	simm.s32 $0x200;
	[sflag:s16] =	ssyncset.done $0x0  }
.LBB2_2:
0x39: {  	s24 =	sshra.s32 s22, $0x2  }
0x3a: {  	[sflag:s16] =	ssyncadd.s32 $0xFFFFC000;
	s22 =	smov.u32 s23;
	s25 =	sadd.s32 $0x200, s23  }
0x3b: {  	[tilespmem:s15], [sflag:$0x1] =	stream.indirect.gather [hbm4b:s4+s18], $0x80, s24, s18, $0xb8;
	[tilespmem:$0x1D000] =	vst v63  }
0x3c: {  	p0 =	sne.s32 s23, $0x9C00;
	_ =	swait.ge [sflag:s16], $0x4000  }
.Ltmp0:
0x3d: {  	[sflag:s16] =	ssyncset.done $0x0;
	(pc) =	sbr.rel @p0 .LBB2_2-.Ltmp0, $4  }
0x3e: {  	s23 =	sadd.s32 $0x2800, s24;
	[sflag:s16] =	ssyncadd.s32 $0xFFFFC000  }
0x3f: {  	[spmem:s2] =	stream.indirect.scatter.add.f32 [tilespmem:s15], [sflag:$0x1], $0x80, s23, s18, $0xb8;
	[tilespmem:$0x1D000] =	vst v63  }
0x40: {  	_ =	swait.ge [sflag:s16], $0x4000  }
0x41: {  	s23 =	smov.u32 s25;
	[sflag:s16] =	ssyncset.done $0x0  }
0x42: {  	s22 =	sshra.s32 s22, $0x2;
	[sflag:s16] =	ssyncadd.s32 $0xFFFFC000  }
0x43: {  	[tilespmem:s15], [sflag:$0x1] =	stream.indirect.gather [hbm4b:s4+s18], $0x80, s22, s18, $0xb8;
	[tilespmem:$0x1D000] =	vst v63  }
0x44: {  	_ =	swait.ge [sflag:s16], $0x4000  }
0x45: {  	[sflag:s16] =	ssyncset.done $0x0  }
0x46: {  	s22 =	sadd.s32 $0x2800, s22;
	[sflag:s16] =	ssyncadd.s32 $0xFFFFC000  }
0x47: {  	[spmem:s2] =	stream.indirect.scatter.add.f32 [tilespmem:s15], [sflag:$0x1], $0x80, s22, s18, $0xb8;
	[tilespmem:$0x1D000] =	vst v63  }
0x48: {  	_ =	swait.ge [sflag:s16], $0x4000  }
0x49: {  	s21 =	sadd.s32 $0x1, s21;
	[sflag:s16] =	ssyncset.done $0x0  }
0x4a: {  	p0 =	sne.s32 s21, s14;
	[sflag:s16] =	ssyncadd.s32 $0xFFFFC000  }
.Ltmp1:
0x4b: {  	[bflag:$0x0] =	sbarrier.arrive $0xFFFF;
	(pc) =	sbr.rel @p0 .LBB2_1-.Ltmp1, $4  }
0x4c: {  	[hbm:s13], [sflag:s19] =	dma.local [spmem:s20], $0x2800  }
0x4d: {  	_ =	swait.ge [sflag:s16], $0x2800  }
0x4e: {  	[sflag:s16] =	ssyncset.done $0x0  }
0x4f: {  	[sflag:s16] =	ssyncadd.s32 $0xFFFFD800  }
0x50: {  	_ =	sfence.sel $0x180000  }
0x51: {  	[bflag:$0x0] =	sbarrier.arrive $0xFFFF  }
0x52: {  	p0 =	sne.s32 s0, $0x0;
	_ =	strace $0x90000050  }
0x53: {  	s0 =	sadd.s32 @!p0 $0x100000, s1;
	[bflag:$0x2] =	sbarrier.arrive $0xFFFF  }
0x54: {  	[sflag:s0] =	ssyncadd.tile.s32 @!p0 $0x1;
	_ =	shalt  }
.Lfunc_end2:
_tile_overlayer_lowered:
.L_overlay_start_2:
0x55: {  	(tag) =	ssettag $0x2  }
0x56: {  	s0 =	rddreg [dreg:$0x0];
	s2 =	stileid.u32  }
0x57: {  	s1 =	rddreg [dreg:$0x1];
	p0 =	sne.s32 s2, $0x0  }
0x58: {  	s3 =	rddreg [dreg:$0x2];
	[bflag:$0x3] =	sbarrier.arrive $0xFFFF;
	s2 =	simm.s32 @!p0 $0x1C01  }
0x59: {  	[timem:s3], [sflag:s2] =	dma.local @!p0 [hbm:s0], s1  }
0x5a: {  	s0 =	simm.s32 @!p0 $0x1  }
0x5b: {  	_ =	swait.ge @!p0 [sflag:s0], s1  }
0x5c: {  	s1 =	ssub.s32 @!p0 $0x0, s1;
	[sflag:s0] =	ssyncset.done @!p0 $0x0  }
0x5d: {  	[sflag:s0] =	ssyncadd.s32 @!p0 s1  }
0x5e: {  	[bflag:$0x3] =	sbarrier.arrive $0xFFFF  }
0x5f: {  	_ =	shalt  }

</sc_bundles>
